<compile_context>
chip_gen: v7x
topology: tpu7x:2x2x1
jax: 0.10.2.dev20260603
libtpu: 0.0.44.dev20260713+nightly
codegen_flags: <defaults>
</compile_context>

<pallas_src>
import functools
import jax
import jax.numpy as jnp
from jax import lax
from jax.experimental import pallas as pl
from jax.experimental.pallas import tpu as pltpu
from jax.experimental.pallas import tpu_sc as plsc

N_RAYS = 2048
GRID = 21
VOX = 0.1
HALF = 0.05
MISS = 10000.0
FHI0 = 100000.0
K_OUT = 63
NW = 32
RPW = N_RAYS // NW
BLK = RPW * K_OUT


def _sc_body(rays_hbm, idx_out, min_out, max_out,
             rays_v, idx_s, min_s, max_s, dsem):
    wid = lax.axis_index("s") * 2 + lax.axis_index("c")
    base = wid * RPW
    pltpu.sync_copy(rays_hbm.at[pl.ds(base * 16, RPW * 16)], rays_v)

    lane = lax.broadcasted_iota(jnp.int32, (16,), 0)
    du = lane >> 2
    dv = lane & 3
    one = jnp.int32(1)
    zero = jnp.int32(0)
    fill_i = jnp.full((16,), -1, jnp.int32)
    fill_f = jnp.full((16,), MISS, jnp.float32)

    def ray_body(r, carry):
        for cb in (0, 16, 32, K_OUT - 16):
            idx_s[r, pl.ds(cb, 16)] = fill_i
            min_s[r, pl.ds(cb, 16)] = fill_f
            max_s[r, pl.ds(cb, 16)] = fill_f

        rv = rays_v[pl.ds(r * 16, 16)]
        ox, oy, oz = rv[0], rv[1], rv[2]
        dx, dy, dz = rv[3], rv[4], rv[5]
        ivx, ivy, ivz = rv[6], rv[7], rv[8]

        axx = jnp.abs(dx)
        axy = jnp.abs(dy)
        axz = jnp.abs(dz)
        m0 = (axx >= axy) & (axx >= axz)
        m1 = jnp.logical_not(m0) & (axy >= axz)
        m2 = jnp.logical_not(m0) & jnp.logical_not(m1)

        oM = jnp.where(m0, ox, jnp.where(m1, oy, oz))
        dM = jnp.where(m0, dx, jnp.where(m1, dy, dz))
        ivM = jnp.where(m0, ivx, jnp.where(m1, ivy, ivz))
        oU = jnp.where(m0, oy, ox)
        dU_ = jnp.where(m0, dy, dx)
        ivU = jnp.where(m0, ivy, ivx)
        oV = jnp.where(m2, oy, oz)
        dV_ = jnp.where(m2, dy, dz)
        ivV = jnp.where(m2, ivy, ivz)
        sM = jnp.where(m0, jnp.int32(441), jnp.where(m1, jnp.int32(21), one))
        sU = jnp.where(m0, jnp.int32(21), jnp.int32(441))
        sV = jnp.where(m2, jnp.int32(21), one)
        dirpos = dM >= 0

        def floor_i32(q):
            qi = q.astype(jnp.int32)
            return jnp.where(qi.astype(jnp.float32) > q, qi - one, qi)

        def axwin(o_a, iv_a):
            tg1 = (jnp.float32(-1.05) - o_a) * iv_a
            tg2 = (jnp.float32(1.05) - o_a) * iv_a
            return jnp.minimum(tg1, tg2), jnp.maximum(tg1, tg2)

        wx = axwin(ox, ivx)
        wy = axwin(oy, ivy)
        wz = axwin(oz, ivz)
        t_in = jnp.maximum(jnp.maximum(wx[0], wy[0]), wz[0])
        t_out = jnp.minimum(jnp.minimum(wx[1], wy[1]), wz[1])
        miss_all = (t_in > t_out) | (t_out < 0)
        t_lo = jnp.maximum(t_in, jnp.float32(0.0))
        t_hi = jnp.minimum(t_out, jnp.float32(MISS))

        pa_m = oM + t_lo * dM
        pb_m = oM + t_hi * dM
        pmin_m = jnp.minimum(jnp.maximum(jnp.minimum(pa_m, pb_m),
                                         jnp.float32(-100.0)), jnp.float32(100.0))
        pmax_m = jnp.minimum(jnp.maximum(jnp.maximum(pa_m, pb_m),
                                         jnp.float32(-100.0)), jnp.float32(100.0))
        LA = floor_i32((pmin_m + jnp.float32(1.05)) * jnp.float32(10.0)) - one
        LB = floor_i32((pmax_m + jnp.float32(1.05)) * jnp.float32(10.0)) + one
        LA = jnp.maximum(LA, zero)
        LB = jnp.minimum(LB, jnp.int32(GRID - 1))
        nL = jnp.where(miss_all, zero, LB - LA + one)

        def latbase(o_a, d_a, ta, tb):
            pa = o_a + ta * d_a
            pb = o_a + tb * d_a
            p = jnp.minimum(pa, pb)
            p = jnp.minimum(jnp.maximum(p, jnp.float32(-10.0)), jnp.float32(10.0))
            q = (p + jnp.float32(1.05)) * jnp.float32(10.0)
            return floor_i32(q) - one

        def slab(acc, c, o_a, iv_a):
            flow, fhigh = acc
            t1 = ((c - jnp.float32(HALF)) - o_a) * iv_a
            t2 = ((c + jnp.float32(HALF)) - o_a) * iv_a
            flow = jnp.maximum(flow, jnp.minimum(t1, t2))
            fhigh = jnp.minimum(fhigh, jnp.maximum(t1, t2))
            return flow, fhigh

        row_v = jnp.full((16,), r, jnp.int32)

        def do_layer(j, cnt_v):
            Li = jnp.where(dirpos, LA + j, LB - j)
            cM = Li.astype(jnp.float32) * jnp.float32(VOX) + jnp.float32(-1.0)
            ta = ((cM - jnp.float32(HALF)) - oM) * ivM
            tb = ((cM + jnp.float32(HALF)) - oM) * ivM
            bU = latbase(oU, dU_, ta, tb)
            bV = latbase(oV, dV_, ta, tb)
            kU = bU + du
            kV = bV + dv
            valid = (plsc.bitcast(kU, jnp.uint32) < jnp.uint32(GRID)) & (
                plsc.bitcast(kV, jnp.uint32) < jnp.uint32(GRID))

            flow0 = jnp.maximum(jnp.float32(0.0), jnp.minimum(ta, tb))
            fhigh0 = jnp.minimum(jnp.float32(FHI0), jnp.maximum(ta, tb))
            acc = (jnp.full((16,), flow0), jnp.full((16,), fhigh0))
            cU = kU.astype(jnp.float32) * jnp.float32(VOX) + jnp.float32(-1.0)
            acc = slab(acc, cU, oU, ivU)
            cV = kV.astype(jnp.float32) * jnp.float32(VOX) + jnp.float32(-1.0)
            flow, fhigh = slab(acc, cV, oV, ivV)

            hit = (flow <= fhigh) & valid & (flow < jnp.float32(MISS))
            key = jnp.where(hit, flow, jnp.float32(MISS))
            vidx = Li * sM + kU * sU + kV * sV

            ks, idxs, fhs = lax.sort((key, vidx, fhigh), dimension=0, num_keys=1)
            mask = ks < jnp.float32(MISS)
            m_v = plsc.all_reduce_population_count(mask)
            col_v = jnp.minimum(cnt_v, jnp.int32(K_OUT)) + lane
            plsc.store_scatter(idx_s, [row_v, col_v], idxs, mask=mask)
            plsc.store_scatter(min_s, [row_v, col_v], ks, mask=mask)
            plsc.store_scatter(max_s, [row_v, col_v], fhs, mask=mask)
            return cnt_v + m_v

        lax.fori_loop(0, nL, do_layer, jnp.zeros((16,), jnp.int32))
        return carry

    lax.fori_loop(0, RPW, ray_body, zero)
    c1 = pltpu.async_copy(idx_s.at[pl.ds(0, RPW)], idx_out.at[pl.ds(base, RPW)], dsem)
    c2 = pltpu.async_copy(min_s.at[pl.ds(0, RPW)], min_out.at[pl.ds(base, RPW)], dsem)
    c3 = pltpu.async_copy(max_s.at[pl.ds(0, RPW)], max_out.at[pl.ds(base, RPW)], dsem)
    c1.wait()
    c2.wait()
    c3.wait()


_voxel_sc = functools.partial(
    pl.kernel,
    out_type=[
        jax.ShapeDtypeStruct((N_RAYS, K_OUT), jnp.int32),
        jax.ShapeDtypeStruct((N_RAYS, K_OUT), jnp.float32),
        jax.ShapeDtypeStruct((N_RAYS, K_OUT), jnp.float32),
    ],
    mesh=plsc.VectorSubcoreMesh(core_axis_name="c", subcore_axis_name="s"),
    compiler_params=pltpu.CompilerParams(needs_layout_passes=False),
    scratch_types=[
        pltpu.VMEM((RPW * 16,), jnp.float32),
        pltpu.VMEM((RPW + 1, K_OUT), jnp.int32),
        pltpu.VMEM((RPW + 1, K_OUT), jnp.float32),
        pltpu.VMEM((RPW + 1, K_OUT), jnp.float32),
        pltpu.SemaphoreType.DMA,
    ],
)(_sc_body)


@jax.jit
def kernel(rays_o, rays_d, center_points):
    del center_points
    inv_d = jnp.float32(1.0) / rays_d
    rays16 = jnp.concatenate(
        [rays_o, rays_d, inv_d, jnp.zeros((N_RAYS, 7), jnp.float32)], axis=1)
    pts_idx, min_d, max_d = _voxel_sc(rays16.reshape(-1))
    hits = pts_idx[:, 0] != -1
    return pts_idx, min_d, max_d, hits

# --- scband reference (transcript-rebuilt; emitter-appended) ---
"""Pipeline reference for scband-voxel-grid-867583394647 (READ-ONLY COPY).

The authoritative reference and input builder live on the scoring server;
editing this copy changes nothing except your own understanding.
"""

import jax, jax.numpy as jnp
import numpy as np

MAX_DEPTH = 10000.0
VOXEL_SIZE = 0.1
BBOX_MIN = np.array([-1.0, -1.0, -1.0], dtype=np.float32)
BBOX_MAX = np.array([1.0, 1.0, 1.0], dtype=np.float32)


def _make_grid():
    steps = (np.round((BBOX_MAX - BBOX_MIN) / VOXEL_SIZE)).astype(np.int64) + 1
    axes = [np.arange(int(s)) for s in steps]
    coords = np.stack(np.meshgrid(*axes, indexing='ij'), -1)
    pts = coords.astype(np.float32) * VOXEL_SIZE + BBOX_MIN[None, None, None, :]
    return pts.reshape(-1, 3), tuple(int(s) for s in steps)


_CENTERS_NP, _STEPS = _make_grid()
MAX_HIT = sum(_STEPS)  # = 63, matches sum(center_points.shape[:3])


def setup_inputs(seed: int = 0) -> dict:
    key = jax.random.key(seed)
    k1, k2 = jax.random.split(key)
    rays_o = jax.random.normal(k1, (2048, 3), dtype=jnp.float32)
    rays_d = jax.random.normal(k2, (2048, 3), dtype=jnp.float32)
    center_points = jnp.asarray(_CENTERS_NP)  # buffer, flattened [V, 3]
    return {"rays_o": rays_o, "rays_d": rays_d, "center_points": center_points}


def _aabb_intersect(rays_o, rays_d, centers, half_voxel):
    # Slab-method ray/AABB intersection against every voxel (NSVF aabb_intersect kernel).
    N = rays_o.shape[0]
    V = centers.shape[0]
    f_low = jnp.zeros((N, V), jnp.float32)
    f_high = jnp.full((N, V), 100000.0, jnp.float32)
    for ax in range(3):
        o = rays_o[:, ax:ax + 1]
        inv = 1.0 / rays_d[:, ax:ax + 1]
        c = centers[None, :, ax]
        t1 = (c - half_voxel - o) * inv
        t2 = (c + half_voxel - o) * inv
        tlo = jnp.minimum(t1, t2)
        thi = jnp.maximum(t1, t2)
        f_low = jnp.maximum(f_low, tlo)
        f_high = jnp.minimum(f_high, thi)
    hit = f_low <= f_high
    return f_low, f_high, hit


def reference(rays_o, rays_d, center_points):
    half_voxel = 0.5 * VOXEL_SIZE
    f_low, f_high, hit = _aabb_intersect(rays_o, rays_d, center_points, half_voxel)
    V = center_points.shape[0]
    # miss -> idx -1, min_depth MAX_DEPTH (as masked_fill in the torch code)
    min_depth_all = jnp.where(hit, f_low, MAX_DEPTH)
    max_depth_all = jnp.where(hit, f_high, MAX_DEPTH)
    idx_all = jnp.where(hit, jnp.arange(V, dtype=jnp.int32)[None, :], -1)
    # sort by min_depth ascending and keep first max_hit entries
    neg_top, top_idx = jax.lax.top_k(-min_depth_all, MAX_HIT)
    min_depth = -neg_top
    max_depth = jnp.take_along_axis(max_depth_all, top_idx, axis=1)
    pts_idx_1d = jnp.take_along_axis(idx_all, top_idx, axis=1)
    hits = jnp.any(pts_idx_1d != -1, axis=-1)
    return pts_idx_1d, min_depth, max_depth, hits

if __name__ == "__main__":
    import jax
    _d = setup_inputs()
    print(jax.jit(kernel)(*tuple(_d.values())))

</pallas_src>

<mosaic_0001>
#map = affine_map<(d0, d1) -> (0)>
#map1 = affine_map<(d0, d1) -> (0, 0)>
module attributes {stable_mosaic.version = 14 : i64} {
  func.func @_sc_body(%arg0: i32, %arg1: i32, %arg2: memref<32768xf32, #tpu.memory_space<hbm>>, %arg3: memref<2048x63xi32, #tpu.memory_space<hbm>>, %arg4: memref<2048x63xf32, #tpu.memory_space<hbm>>, %arg5: memref<2048x63xf32, #tpu.memory_space<hbm>>, %arg6: memref<1024xf32, #tpu.memory_space<vmem>>, %arg7: memref<65x63xi32, #tpu.memory_space<vmem>>, %arg8: memref<65x63xf32, #tpu.memory_space<vmem>>, %arg9: memref<65x63xf32, #tpu.memory_space<vmem>>, %arg10: memref<!tpu.dma_semaphore, #tpu.memory_space<semaphore_mem>>) attributes {dimension_semantics = [#tpu.dimension_semantics<core_parallel>, #tpu.dimension_semantics<subcore_parallel>], iteration_bounds = array<i64: 2, 16>, scalar_prefetch = 0 : i64, scratch_operands = 5 : i64, tpu.core_type = #tpu.core_type<sc_vector_subcore>, window_params = [{transform_indices = #map}, {transform_indices = #map1}, {transform_indices = #map1}, {transform_indices = #map1}]} {
    %mul3A = arith.constant 2 : i32
    %mul3A_0 = arith.muli %arg1, %mul3A : i32
    %add3A = arith.addi %mul3A_0, %arg0 : i32
    %mul3A_1 = arith.constant 64 : i32
    %mul3A_2 = arith.muli %add3A, %mul3A_1 : i32
    %mul3A_3 = arith.constant 16 : i32
    %mul3A_4 = arith.muli %mul3A_2, %mul3A_3 : i32
    "tpu.region"() ({
      %run_scoped3A = tpu.sem_alloc : memref<!tpu.dma_semaphore, #tpu.memory_space<semaphore_mem>>
      %dma_start3A_77 = tpu.memref_slice %arg2[%mul3A_4] : memref<32768xf32, #tpu.memory_space<hbm>> -> memref<1024xf32, #tpu.memory_space<hbm>>
      %dma_start3A_78 = tpu.memref_slice %arg2[%mul3A_4] : memref<32768xf32, #tpu.memory_space<hbm>> -> memref<1024xf32, #tpu.memory_space<hbm>>
      tpu.enqueue_dma source(%dma_start3A_78 : memref<1024xf32, #tpu.memory_space<hbm>>) target(%arg6 : memref<1024xf32, #tpu.memory_space<vmem>>) target_semaphore(%run_scoped3A : memref<!tpu.dma_semaphore, #tpu.memory_space<semaphore_mem>>)
      %dma_wait3A_79 = tpu.memref_slice %arg2[%mul3A_4] : memref<32768xf32, #tpu.memory_space<hbm>> -> memref<1024xf32, #tpu.memory_space<hbm>>
      %dma_wait3A_80 = tpu.memref_slice %arg2[%mul3A_4] : memref<32768xf32, #tpu.memory_space<hbm>> -> memref<1024xf32, #tpu.memory_space<hbm>>
      tpu.wait_dma2 semaphore(%run_scoped3A : memref<!tpu.dma_semaphore, #tpu.memory_space<semaphore_mem>>) src(%dma_wait3A_80 : memref<1024xf32, #tpu.memory_space<hbm>>) dst(%arg6 : memref<1024xf32, #tpu.memory_space<vmem>>)
      tpu.yield
    }) : () -> ()
    %iota3A = tpu.iota {dimensions = array<i32: 0>} : vector<16xi32>
    %shift_right_arithmetic3A = arith.constant 2 : i32
    %shift_right_arithmetic3A_5 = vector.broadcast %shift_right_arithmetic3A : i32 to vector<16xi32>
    %shift_right_arithmetic3A_6 = arith.shrsi %iota3A, %shift_right_arithmetic3A_5 : vector<16xi32>
    %and3A = arith.constant 3 : i32
    %and3A_7 = vector.broadcast %and3A : i32 to vector<16xi32>
    %and3A_8 = arith.andi %iota3A, %and3A_7 : vector<16xi32>
    %broadcast_in_dim3A = arith.constant -1 : i32
    %broadcast_in_dim3A_9 = vector.broadcast %broadcast_in_dim3A : i32 to vector<16xi32>
    %broadcast_in_dim3A_10 = arith.constant 1.000000e+04 : f32
    %broadcast_in_dim3A_11 = vector.broadcast %broadcast_in_dim3A_10 : f32 to vector<16xf32>
    %scan3A = arith.constant 0 : i32
    %scan3A_12 = arith.constant 1 : i32
    %scan3A_13 = arith.constant 0 : i32
    %scan3A_14 = arith.constant 0 : i32
    %scan3A_15 = arith.constant 64 : i32
    %scan3A_16 = arith.addi %scan3A_14, %scan3A_15 : i32
    %scan3A_17 = arith.constant 1 : i32
    scf.for %scan3A_77 = %scan3A_14 to %scan3A_16 step %scan3A_17  : i32 {
      %swap3A = arith.index_cast %scan3A_77 : i32 to index
      %swap3A_78 = arith.constant 0 : index
      %swap3A_79 = tpu.vector_load %arg7[%swap3A, %swap3A_78] {strides = array<i32>} : memref<65x63xi32, #tpu.memory_space<vmem>>, vector<16xi32>,
      tpu.vector_store %arg7[%swap3A, %swap3A_78], %broadcast_in_dim3A_9 {strides = array<i32>} : memref<65x63xi32, #tpu.memory_space<vmem>>, vector<16xi32>,
      %swap3A_80 = arith.index_cast %scan3A_77 : i32 to index
      %swap3A_81 = arith.constant 0 : index
      %swap3A_82 = tpu.vector_load %arg8[%swap3A_80, %swap3A_81] {strides = array<i32>} : memref<65x63xf32, #tpu.memory_space<vmem>>, vector<16xf32>,
      tpu.vector_store %arg8[%swap3A_80, %swap3A_81], %broadcast_in_dim3A_11 {strides = array<i32>} : memref<65x63xf32, #tpu.memory_space<vmem>>, vector<16xf32>,
      %swap3A_83 = arith.index_cast %scan3A_77 : i32 to index
      %swap3A_84 = arith.constant 0 : index
      %swap3A_85 = tpu.vector_load %arg9[%swap3A_83, %swap3A_84] {strides = array<i32>} : memref<65x63xf32, #tpu.memory_space<vmem>>, vector<16xf32>,
      tpu.vector_store %arg9[%swap3A_83, %swap3A_84], %broadcast_in_dim3A_11 {strides = array<i32>} : memref<65x63xf32, #tpu.memory_space<vmem>>, vector<16xf32>,
      %swap3A_86 = arith.index_cast %scan3A_77 : i32 to index
      %swap3A_87 = arith.constant 16 : index
      %swap3A_88 = tpu.vector_load %arg7[%swap3A_86, %swap3A_87] {strides = array<i32>} : memref<65x63xi32, #tpu.memory_space<vmem>>, vector<16xi32>,
      tpu.vector_store %arg7[%swap3A_86, %swap3A_87], %broadcast_in_dim3A_9 {strides = array<i32>} : memref<65x63xi32, #tpu.memory_space<vmem>>, vector<16xi32>,
      %swap3A_89 = arith.index_cast %scan3A_77 : i32 to index
      %swap3A_90 = arith.constant 16 : index
      %swap3A_91 = tpu.vector_load %arg8[%swap3A_89, %swap3A_90] {strides = array<i32>} : memref<65x63xf32, #tpu.memory_space<vmem>>, vector<16xf32>,
      tpu.vector_store %arg8[%swap3A_89, %swap3A_90], %broadcast_in_dim3A_11 {strides = array<i32>} : memref<65x63xf32, #tpu.memory_space<vmem>>, vector<16xf32>,
      %swap3A_92 = arith.index_cast %scan3A_77 : i32 to index
      %swap3A_93 = arith.constant 16 : index
      %swap3A_94 = tpu.vector_load %arg9[%swap3A_92, %swap3A_93] {strides = array<i32>} : memref<65x63xf32, #tpu.memory_space<vmem>>, vector<16xf32>,
      tpu.vector_store %arg9[%swap3A_92, %swap3A_93], %broadcast_in_dim3A_11 {strides = array<i32>} : memref<65x63xf32, #tpu.memory_space<vmem>>, vector<16xf32>,
      %swap3A_95 = arith.index_cast %scan3A_77 : i32 to index
      %swap3A_96 = arith.constant 32 : index
      %swap3A_97 = tpu.vector_load %arg7[%swap3A_95, %swap3A_96] {strides = array<i32>} : memref<65x63xi32, #tpu.memory_space<vmem>>, vector<16xi32>,
      tpu.vector_store %arg7[%swap3A_95, %swap3A_96], %broadcast_in_dim3A_9 {strides = array<i32>} : memref<65x63xi32, #tpu.memory_space<vmem>>, vector<16xi32>,
      %swap3A_98 = arith.index_cast %scan3A_77 : i32 to index
      %swap3A_99 = arith.constant 32 : index
      %swap3A_100 = tpu.vector_load %arg8[%swap3A_98, %swap3A_99] {strides = array<i32>} : memref<65x63xf32, #tpu.memory_space<vmem>>, vector<16xf32>,
      tpu.vector_store %arg8[%swap3A_98, %swap3A_99], %broadcast_in_dim3A_11 {strides = array<i32>} : memref<65x63xf32, #tpu.memory_space<vmem>>, vector<16xf32>,
      %swap3A_101 = arith.index_cast %scan3A_77 : i32 to index
      %swap3A_102 = arith.constant 32 : index
      %swap3A_103 = tpu.vector_load %arg9[%swap3A_101, %swap3A_102] {strides = array<i32>} : memref<65x63xf32, #tpu.memory_space<vmem>>, vector<16xf32>,
      tpu.vector_store %arg9[%swap3A_101, %swap3A_102], %broadcast_in_dim3A_11 {strides = array<i32>} : memref<65x63xf32, #tpu.memory_space<vmem>>, vector<16xf32>,
      %swap3A_104 = arith.index_cast %scan3A_77 : i32 to index
      %swap3A_105 = arith.constant 47 : index
      %swap3A_106 = tpu.vector_load %arg7[%swap3A_104, %swap3A_105] {strides = array<i32>} : memref<65x63xi32, #tpu.memory_space<vmem>>, vector<16xi32>,
      tpu.vector_store %arg7[%swap3A_104, %swap3A_105], %broadcast_in_dim3A_9 {strides = array<i32>} : memref<65x63xi32, #tpu.memory_space<vmem>>, vector<16xi32>,
      %swap3A_107 = arith.index_cast %scan3A_77 : i32 to index
      %swap3A_108 = arith.constant 47 : index
      %swap3A_109 = tpu.vector_load %arg8[%swap3A_107, %swap3A_108] {strides = array<i32>} : memref<65x63xf32, #tpu.memory_space<vmem>>, vector<16xf32>,
      tpu.vector_store %arg8[%swap3A_107, %swap3A_108], %broadcast_in_dim3A_11 {strides = array<i32>} : memref<65x63xf32, #tpu.memory_space<vmem>>, vector<16xf32>,
      %swap3A_110 = arith.index_cast %scan3A_77 : i32 to index
      %swap3A_111 = arith.constant 47 : index
      %swap3A_112 = tpu.vector_load %arg9[%swap3A_110, %swap3A_111] {strides = array<i32>} : memref<65x63xf32, #tpu.memory_space<vmem>>, vector<16xf32>,
      tpu.vector_store %arg9[%swap3A_110, %swap3A_111], %broadcast_in_dim3A_11 {strides = array<i32>} : memref<65x63xf32, #tpu.memory_space<vmem>>, vector<16xf32>,
      %mul3A_113 = arith.constant 16 : i32
      %mul3A_114 = arith.muli %scan3A_77, %mul3A_113 : i32
      %get3A = arith.index_cast %mul3A_114 : i32 to index
      %get3A_115 = tpu.vector_load %arg6[%get3A] {strides = array<i32>} : memref<1024xf32, #tpu.memory_space<vmem>>, vector<16xf32>,
      %slice3A = vector.extract_strided_slice %get3A_115 {offsets = [0], sizes = [1], strides = [1]} : vector<16xf32> to vector<1xf32>
      %squeeze3A = vector.extract %slice3A[0] : f32 from vector<1xf32>
      %slice3A_116 = vector.extract_strided_slice %get3A_115 {offsets = [1], sizes = [1], strides = [1]} : vector<16xf32> to vector<1xf32>
      %squeeze3A_117 = vector.extract %slice3A_116[0] : f32 from vector<1xf32>
      %slice3A_118 = vector.extract_strided_slice %get3A_115 {offsets = [2], sizes = [1], strides = [1]} : vector<16xf32> to vector<1xf32>
      %squeeze3A_119 = vector.extract %slice3A_118[0] : f32 from vector<1xf32>
      %slice3A_120 = vector.extract_strided_slice %get3A_115 {offsets = [3], sizes = [1], strides = [1]} : vector<16xf32> to vector<1xf32>
      %squeeze3A_121 = vector.extract %slice3A_120[0] : f32 from vector<1xf32>
      %slice3A_122 = vector.extract_strided_slice %get3A_115 {offsets = [4], sizes = [1], strides = [1]} : vector<16xf32> to vector<1xf32>
      %squeeze3A_123 = vector.extract %slice3A_122[0] : f32 from vector<1xf32>
      %slice3A_124 = vector.extract_strided_slice %get3A_115 {offsets = [5], sizes = [1], strides = [1]} : vector<16xf32> to vector<1xf32>
      %squeeze3A_125 = vector.extract %slice3A_124[0] : f32 from vector<1xf32>
      %slice3A_126 = vector.extract_strided_slice %get3A_115 {offsets = [6], sizes = [1], strides = [1]} : vector<16xf32> to vector<1xf32>
      %squeeze3A_127 = vector.extract %slice3A_126[0] : f32 from vector<1xf32>
      %slice3A_128 = vector.extract_strided_slice %get3A_115 {offsets = [7], sizes = [1], strides = [1]} : vector<16xf32> to vector<1xf32>
      %squeeze3A_129 = vector.extract %slice3A_128[0] : f32 from vector<1xf32>
      %slice3A_130 = vector.extract_strided_slice %get3A_115 {offsets = [8], sizes = [1], strides = [1]} : vector<16xf32> to vector<1xf32>
      %squeeze3A_131 = vector.extract %slice3A_130[0] : f32 from vector<1xf32>
      %abs3A = math.absf %squeeze3A_121 : f32
      %abs3A_132 = math.absf %squeeze3A_123 : f32
      %abs3A_133 = math.absf %squeeze3A_125 : f32
      %ge3A = arith.cmpf oge, %abs3A, %abs3A_132 : f32
      %ge3A_134 = arith.cmpf oge, %abs3A, %abs3A_133 : f32
      %and3A_135 = arith.andi %ge3A, %ge3A_134 : i1
      %not3A = arith.constant true
      %not3A_136 = arith.xori %and3A_135, %not3A : i1
      %ge3A_137 = arith.cmpf oge, %abs3A_132, %abs3A_133 : f32
      %and3A_138 = arith.andi %not3A_136, %ge3A_137 : i1
      %not3A_139 = arith.constant true
      %not3A_140 = arith.xori %and3A_135, %not3A_139 : i1
      %not3A_141 = arith.constant true
      %not3A_142 = arith.xori %and3A_138, %not3A_141 : i1
      %and3A_143 = arith.andi %not3A_140, %not3A_142 : i1
      %select_n3A = arith.select %and3A_138, %squeeze3A_117, %squeeze3A_119 : f32
      %select_n3A_144 = arith.select %and3A_135, %squeeze3A, %select_n3A : f32
      %select_n3A_145 = arith.select %and3A_138, %squeeze3A_123, %squeeze3A_125 : f32
      %select_n3A_146 = arith.select %and3A_135, %squeeze3A_121, %select_n3A_145 : f32
      %select_n3A_147 = arith.select %and3A_138, %squeeze3A_129, %squeeze3A_131 : f32
      %select_n3A_148 = arith.select %and3A_135, %squeeze3A_127, %select_n3A_147 : f32
      %select_n3A_149 = arith.select %and3A_135, %squeeze3A_117, %squeeze3A : f32
      %select_n3A_150 = arith.select %and3A_135, %squeeze3A_123, %squeeze3A_121 : f32
      %select_n3A_151 = arith.select %and3A_135, %squeeze3A_129, %squeeze3A_127 : f32
      %select_n3A_152 = arith.select %and3A_143, %squeeze3A_117, %squeeze3A_119 : f32
      %select_n3A_153 = arith.select %and3A_143, %squeeze3A_123, %squeeze3A_125 : f32
      %select_n3A_154 = arith.select %and3A_143, %squeeze3A_129, %squeeze3A_131 : f32
      %jit3A = arith.constant 21 : i32
      %select_n3A_155 = arith.select %and3A_138, %jit3A, %scan3A_12 : i32
      %jit3A_156 = arith.constant 441 : i32
      %select_n3A_157 = arith.select %and3A_135, %jit3A_156, %select_n3A_155 : i32
      %jit3A_158 = arith.constant 21 : i32
      %jit3A_159 = arith.constant 441 : i32
      %select_n3A_160 = arith.select %and3A_135, %jit3A_158, %jit3A_159 : i32
      %jit3A_161 = arith.constant 21 : i32
      %select_n3A_162 = arith.select %and3A_143, %jit3A_161, %scan3A_12 : i32
      %ge3A_163 = arith.constant 0.000000e+00 : f32
      %ge3A_164 = arith.cmpf oge, %select_n3A_146, %ge3A_163 : f32
      %sub3A = arith.constant -1.050000e+00 : f32
      %sub3A_165 = arith.subf %sub3A, %squeeze3A : f32
      %mul3A_166 = arith.mulf %sub3A_165, %squeeze3A_127 : f32
      %sub3A_167 = arith.constant 1.050000e+00 : f32
      %sub3A_168 = arith.subf %sub3A_167, %squeeze3A : f32
      %mul3A_169 = arith.mulf %sub3A_168, %squeeze3A_127 : f32
      %min3A = arith.minimumf %mul3A_166, %mul3A_169 : f32
      %max3A = arith.maximumf %mul3A_166, %mul3A_169 : f32
      %sub3A_170 = arith.constant -1.050000e+00 : f32
      %sub3A_171 = arith.subf %sub3A_170, %squeeze3A_117 : f32
      %mul3A_172 = arith.mulf %sub3A_171, %squeeze3A_129 : f32
      %sub3A_173 = arith.constant 1.050000e+00 : f32
      %sub3A_174 = arith.subf %sub3A_173, %squeeze3A_117 : f32
      %mul3A_175 = arith.mulf %sub3A_174, %squeeze3A_129 : f32
      %min3A_176 = arith.minimumf %mul3A_172, %mul3A_175 : f32
      %max3A_177 = arith.maximumf %mul3A_172, %mul3A_175 : f32
      %sub3A_178 = arith.constant -1.050000e+00 : f32
      %sub3A_179 = arith.subf %sub3A_178, %squeeze3A_119 : f32
      %mul3A_180 = arith.mulf %sub3A_179, %squeeze3A_131 : f32
      %sub3A_181 = arith.constant 1.050000e+00 : f32
      %sub3A_182 = arith.subf %sub3A_181, %squeeze3A_119 : f32
      %mul3A_183 = arith.mulf %sub3A_182, %squeeze3A_131 : f32
      %min3A_184 = arith.minimumf %mul3A_180, %mul3A_183 : f32
      %max3A_185 = arith.maximumf %mul3A_180, %mul3A_183 : f32
      %max3A_186 = arith.maximumf %min3A, %min3A_176 : f32
      %max3A_187 = arith.maximumf %max3A_186, %min3A_184 : f32
      %min3A_188 = arith.minimumf %max3A, %max3A_177 : f32
      %min3A_189 = arith.minimumf %min3A_188, %max3A_185 : f32
      %gt3A = arith.cmpf ogt, %max3A_187, %min3A_189 : f32
      %lt3A = arith.constant 0.000000e+00 : f32
      %lt3A_190 = arith.cmpf olt, %min3A_189, %lt3A : f32
      %or3A = arith.ori %gt3A, %lt3A_190 : i1
      %max3A_191 = arith.constant 0.000000e+00 : f32
      %max3A_192 = arith.maximumf %max3A_187, %max3A_191 : f32
      %min3A_193 = arith.constant 1.000000e+04 : f32
      %min3A_194 = arith.minimumf %min3A_189, %min3A_193 : f32
      %mul3A_195 = arith.mulf %max3A_192, %select_n3A_146 : f32
      %add3A_196 = arith.addf %select_n3A_144, %mul3A_195 : f32
      %mul3A_197 = arith.mulf %min3A_194, %select_n3A_146 : f32
      %add3A_198 = arith.addf %select_n3A_144, %mul3A_197 : f32
      %min3A_199 = arith.minimumf %add3A_196, %add3A_198 : f32
      %max3A_200 = arith.constant -1.000000e+02 : f32
      %max3A_201 = arith.maximumf %min3A_199, %max3A_200 : f32
      %min3A_202 = arith.constant 1.000000e+02 : f32
      %min3A_203 = arith.minimumf %max3A_201, %min3A_202 : f32
      %max3A_204 = arith.maximumf %add3A_196, %add3A_198 : f32
      %max3A_205 = arith.constant -1.000000e+02 : f32
      %max3A_206 = arith.maximumf %max3A_204, %max3A_205 : f32
      %min3A_207 = arith.constant 1.000000e+02 : f32
      %min3A_208 = arith.minimumf %max3A_206, %min3A_207 : f32
      %add3A_209 = arith.constant 1.050000e+00 : f32
      %add3A_210 = arith.addf %min3A_203, %add3A_209 : f32
      %mul3A_211 = arith.constant 1.000000e+01 : f32
      %mul3A_212 = arith.mulf %add3A_210, %mul3A_211 : f32
      %convert_element_type3A = arith.fptosi %mul3A_212 : f32 to i32
      %convert_element_type3A_213 = arith.sitofp %convert_element_type3A : i32 to f32
      %gt3A_214 = arith.cmpf ogt, %convert_element_type3A_213, %mul3A_212 : f32
      %sub3A_215 = arith.subi %convert_element_type3A, %scan3A_12 : i32
      %select_n3A_216 = arith.select %gt3A_214, %sub3A_215, %convert_element_type3A : i32
      %sub3A_217 = arith.subi %select_n3A_216, %scan3A_12 : i32
      %add3A_218 = arith.constant 1.050000e+00 : f32
      %add3A_219 = arith.addf %min3A_208, %add3A_218 : f32
      %mul3A_220 = arith.constant 1.000000e+01 : f32
      %mul3A_221 = arith.mulf %add3A_219, %mul3A_220 : f32
      %convert_element_type3A_222 = arith.fptosi %mul3A_221 : f32 to i32
      %convert_element_type3A_223 = arith.sitofp %convert_element_type3A_222 : i32 to f32
      %gt3A_224 = arith.cmpf ogt, %convert_element_type3A_223, %mul3A_221 : f32
      %sub3A_225 = arith.subi %convert_element_type3A_222, %scan3A_12 : i32
      %select_n3A_226 = arith.select %gt3A_224, %sub3A_225, %convert_element_type3A_222 : i32
      %add3A_227 = arith.addi %select_n3A_226, %scan3A_12 : i32
      %max3A_228 = arith.maxsi %sub3A_217, %scan3A_13 : i32
      %min3A_229 = arith.constant 20 : i32
      %min3A_230 = arith.minsi %add3A_227, %min3A_229 : i32
      %sub3A_231 = arith.subi %min3A_230, %max3A_228 : i32
      %add3A_232 = arith.addi %sub3A_231, %scan3A_12 : i32
      %select_n3A_233 = arith.select %or3A, %scan3A_13, %add3A_232 : i32
      %broadcast_in_dim3A_234 = vector.broadcast %scan3A_77 : i32 to vector<16xi32>
      %broadcast_in_dim3A_235 = arith.constant 0 : i32
      %broadcast_in_dim3A_236 = vector.broadcast %broadcast_in_dim3A_235 : i32 to vector<16xi32>
      %while3A = arith.constant 0 : i32
      %while3A_237 = arith.subi %select_n3A_233, %while3A : i32
      %while3A_238 = arith.addi %while3A, %while3A_237 : i32
      %while3A_239 = arith.constant 1 : i32
      %while3A_240 = arith.divsi %while3A_237, %while3A_239 : i32
      %while3A_241 = arith.muli %while3A_240, %while3A_239 : i32
      %while3A_242 = arith.addi %while3A, %while3A_241 : i32
      %while3A_243 = arith.constant 1 : i32
      %while3A_244 = scf.for %while3A_247 = %while3A to %while3A_242 step %while3A_243 iter_args(%while3A_248 = %broadcast_in_dim3A_236) -> (vector<16xi32>)  : i32 {
        %add3A_249 = arith.addi %max3A_228, %while3A_247 : i32
        %sub3A_250 = arith.subi %min3A_230, %while3A_247 : i32
        %select_n3A_251 = arith.select %ge3A_164, %add3A_249, %sub3A_250 : i32
        %convert_element_type3A_252 = arith.sitofp %select_n3A_251 : i32 to f32
        %mul3A_253 = arith.constant 1.000000e-01 : f32
        %mul3A_254 = arith.mulf %convert_element_type3A_252, %mul3A_253 : f32
        %add3A_255 = arith.constant -1.000000e+00 : f32
        %add3A_256 = arith.addf %mul3A_254, %add3A_255 : f32
        %sub3A_257 = arith.constant 5.000000e-02 : f32
        %sub3A_258 = arith.subf %add3A_256, %sub3A_257 : f32
        %sub3A_259 = arith.subf %sub3A_258, %select_n3A_144 : f32
        %mul3A_260 = arith.mulf %sub3A_259, %select_n3A_148 : f32
        %add3A_261 = arith.constant 5.000000e-02 : f32
        %add3A_262 = arith.addf %add3A_256, %add3A_261 : f32
        %sub3A_263 = arith.subf %add3A_262, %select_n3A_144 : f32
        %mul3A_264 = arith.mulf %sub3A_263, %select_n3A_148 : f32
        %mul3A_265 = arith.mulf %mul3A_260, %select_n3A_150 : f32
        %add3A_266 = arith.addf %select_n3A_149, %mul3A_265 : f32
        %mul3A_267 = arith.mulf %mul3A_264, %select_n3A_150 : f32
        %add3A_268 = arith.addf %select_n3A_149, %mul3A_267 : f32
        %min3A_269 = arith.minimumf %add3A_266, %add3A_268 : f32
        %max3A_270 = arith.constant -1.000000e+01 : f32
        %max3A_271 = arith.maximumf %min3A_269, %max3A_270 : f32
        %min3A_272 = arith.constant 1.000000e+01 : f32
        %min3A_273 = arith.minimumf %max3A_271, %min3A_272 : f32
        %add3A_274 = arith.constant 1.050000e+00 : f32
        %add3A_275 = arith.addf %min3A_273, %add3A_274 : f32
        %mul3A_276 = arith.constant 1.000000e+01 : f32
        %mul3A_277 = arith.mulf %add3A_275, %mul3A_276 : f32
        %convert_element_type3A_278 = arith.fptosi %mul3A_277 : f32 to i32
        %convert_element_type3A_279 = arith.sitofp %convert_element_type3A_278 : i32 to f32
        %gt3A_280 = arith.cmpf ogt, %convert_element_type3A_279, %mul3A_277 : f32
        %sub3A_281 = arith.subi %convert_element_type3A_278, %scan3A_12 : i32
        %select_n3A_282 = arith.select %gt3A_280, %sub3A_281, %convert_element_type3A_278 : i32
        %sub3A_283 = arith.subi %select_n3A_282, %scan3A_12 : i32
        %mul3A_284 = arith.mulf %mul3A_260, %select_n3A_153 : f32
        %add3A_285 = arith.addf %select_n3A_152, %mul3A_284 : f32
        %mul3A_286 = arith.mulf %mul3A_264, %select_n3A_153 : f32
        %add3A_287 = arith.addf %select_n3A_152, %mul3A_286 : f32
        %min3A_288 = arith.minimumf %add3A_285, %add3A_287 : f32
        %max3A_289 = arith.constant -1.000000e+01 : f32
        %max3A_290 = arith.maximumf %min3A_288, %max3A_289 : f32
        %min3A_291 = arith.constant 1.000000e+01 : f32
        %min3A_292 = arith.minimumf %max3A_290, %min3A_291 : f32
        %add3A_293 = arith.constant 1.050000e+00 : f32
        %add3A_294 = arith.addf %min3A_292, %add3A_293 : f32
        %mul3A_295 = arith.constant 1.000000e+01 : f32
        %mul3A_296 = arith.mulf %add3A_294, %mul3A_295 : f32
        %convert_element_type3A_297 = arith.fptosi %mul3A_296 : f32 to i32
        %convert_element_type3A_298 = arith.sitofp %convert_element_type3A_297 : i32 to f32
        %gt3A_299 = arith.cmpf ogt, %convert_element_type3A_298, %mul3A_296 : f32
        %sub3A_300 = arith.subi %convert_element_type3A_297, %scan3A_12 : i32
        %select_n3A_301 = arith.select %gt3A_299, %sub3A_300, %convert_element_type3A_297 : i32
        %sub3A_302 = arith.subi %select_n3A_301, %scan3A_12 : i32
        %add3A_303 = vector.broadcast %sub3A_283 : i32 to vector<16xi32>
        %add3A_304 = arith.addi %add3A_303, %shift_right_arithmetic3A_6 : vector<16xi32>
        %add3A_305 = vector.broadcast %sub3A_302 : i32 to vector<16xi32>
        %add3A_306 = arith.addi %add3A_305, %and3A_8 : vector<16xi32>
        %bitcast3A = vector.bitcast %add3A_304 : vector<16xi32> to vector<16xi32>
        %lt3A_307 = arith.constant 21 : i32
        %lt3A_308 = vector.broadcast %lt3A_307 : i32 to vector<16xi32>
        %lt3A_309 = arith.cmpi ult, %bitcast3A, %lt3A_308 : vector<16xi32>
        %bitcast3A_310 = vector.bitcast %add3A_306 : vector<16xi32> to vector<16xi32>
        %lt3A_311 = arith.constant 21 : i32
        %lt3A_312 = vector.broadcast %lt3A_311 : i32 to vector<16xi32>
        %lt3A_313 = arith.cmpi ult, %bitcast3A_310, %lt3A_312 : vector<16xi32>
        %and3A_314 = arith.andi %lt3A_309, %lt3A_313 : vector<16xi1>
        %min3A_315 = arith.minimumf %mul3A_260, %mul3A_264 : f32
        %max3A_316 = arith.constant 0.000000e+00 : f32
        %max3A_317 = arith.maximumf %max3A_316, %min3A_315 : f32
        %max3A_318 = arith.maximumf %mul3A_260, %mul3A_264 : f32
        %min3A_319 = arith.constant 1.000000e+05 : f32
        %min3A_320 = arith.minimumf %min3A_319, %max3A_318 : f32
        %broadcast_in_dim3A_321 = vector.broadcast %max3A_317 : f32 to vector<16xf32>
        %broadcast_in_dim3A_322 = vector.broadcast %min3A_320 : f32 to vector<16xf32>
        %convert_element_type3A_323 = arith.sitofp %add3A_304 : vector<16xi32> to vector<16xf32>
        %mul3A_324 = arith.constant 1.000000e-01 : f32
        %mul3A_325 = vector.broadcast %mul3A_324 : f32 to vector<16xf32>
        %mul3A_326 = arith.mulf %convert_element_type3A_323, %mul3A_325 : vector<16xf32>
        %add3A_327 = arith.constant -1.000000e+00 : f32
        %add3A_328 = vector.broadcast %add3A_327 : f32 to vector<16xf32>
        %add3A_329 = arith.addf %mul3A_326, %add3A_328 : vector<16xf32>
        %sub3A_330 = arith.constant 5.000000e-02 : f32
        %sub3A_331 = vector.broadcast %sub3A_330 : f32 to vector<16xf32>
        %sub3A_332 = arith.subf %add3A_329, %sub3A_331 : vector<16xf32>
        %sub3A_333 = vector.broadcast %select_n3A_149 : f32 to vector<16xf32>
        %sub3A_334 = arith.subf %sub3A_332, %sub3A_333 : vector<16xf32>
        %mul3A_335 = vector.broadcast %select_n3A_151 : f32 to vector<16xf32>
        %mul3A_336 = arith.mulf %sub3A_334, %mul3A_335 : vector<16xf32>
        %add3A_337 = arith.constant 5.000000e-02 : f32
        %add3A_338 = vector.broadcast %add3A_337 : f32 to vector<16xf32>
        %add3A_339 = arith.addf %add3A_329, %add3A_338 : vector<16xf32>
        %sub3A_340 = vector.broadcast %select_n3A_149 : f32 to vector<16xf32>
        %sub3A_341 = arith.subf %add3A_339, %sub3A_340 : vector<16xf32>
        %mul3A_342 = vector.broadcast %select_n3A_151 : f32 to vector<16xf32>
        %mul3A_343 = arith.mulf %sub3A_341, %mul3A_342 : vector<16xf32>
        %min3A_344 = arith.minimumf %mul3A_336, %mul3A_343 : vector<16xf32>
        %max3A_345 = arith.maximumf %broadcast_in_dim3A_321, %min3A_344 : vector<16xf32>
        %max3A_346 = arith.maximumf %mul3A_336, %mul3A_343 : vector<16xf32>
        %min3A_347 = arith.minimumf %broadcast_in_dim3A_322, %max3A_346 : vector<16xf32>
        %convert_element_type3A_348 = arith.sitofp %add3A_306 : vector<16xi32> to vector<16xf32>
        %mul3A_349 = arith.constant 1.000000e-01 : f32
        %mul3A_350 = vector.broadcast %mul3A_349 : f32 to vector<16xf32>
        %mul3A_351 = arith.mulf %convert_element_type3A_348, %mul3A_350 : vector<16xf32>
        %add3A_352 = arith.constant -1.000000e+00 : f32
        %add3A_353 = vector.broadcast %add3A_352 : f32 to vector<16xf32>
        %add3A_354 = arith.addf %mul3A_351, %add3A_353 : vector<16xf32>
        %sub3A_355 = arith.constant 5.000000e-02 : f32
        %sub3A_356 = vector.broadcast %sub3A_355 : f32 to vector<16xf32>
        %sub3A_357 = arith.subf %add3A_354, %sub3A_356 : vector<16xf32>
        %sub3A_358 = vector.broadcast %select_n3A_152 : f32 to vector<16xf32>
        %sub3A_359 = arith.subf %sub3A_357, %sub3A_358 : vector<16xf32>
        %mul3A_360 = vector.broadcast %select_n3A_154 : f32 to vector<16xf32>
        %mul3A_361 = arith.mulf %sub3A_359, %mul3A_360 : vector<16xf32>
        %add3A_362 = arith.constant 5.000000e-02 : f32
        %add3A_363 = vector.broadcast %add3A_362 : f32 to vector<16xf32>
        %add3A_364 = arith.addf %add3A_354, %add3A_363 : vector<16xf32>
        %sub3A_365 = vector.broadcast %select_n3A_152 : f32 to vector<16xf32>
        %sub3A_366 = arith.subf %add3A_364, %sub3A_365 : vector<16xf32>
        %mul3A_367 = vector.broadcast %select_n3A_154 : f32 to vector<16xf32>
        %mul3A_368 = arith.mulf %sub3A_366, %mul3A_367 : vector<16xf32>
        %min3A_369 = arith.minimumf %mul3A_361, %mul3A_368 : vector<16xf32>
        %max3A_370 = arith.maximumf %max3A_345, %min3A_369 : vector<16xf32>
        %max3A_371 = arith.maximumf %mul3A_361, %mul3A_368 : vector<16xf32>
        %min3A_372 = arith.minimumf %min3A_347, %max3A_371 : vector<16xf32>
        %le3A = arith.cmpf ole, %max3A_370, %min3A_372 : vector<16xf32>
        %and3A_373 = arith.andi %le3A, %and3A_314 : vector<16xi1>
        %lt3A_374 = arith.constant 1.000000e+04 : f32
        %lt3A_375 = vector.broadcast %lt3A_374 : f32 to vector<16xf32>
        %lt3A_376 = arith.cmpf olt, %max3A_370, %lt3A_375 : vector<16xf32>
        %and3A_377 = arith.andi %and3A_373, %lt3A_376 : vector<16xi1>
        %jit3A_378 = arith.constant 1.000000e+04 : f32
        %broadcast_in_dim3A_379 = vector.broadcast %jit3A_378 : f32 to vector<16xf32>
        %select_n3A_380 = arith.select %and3A_377, %max3A_370, %broadcast_in_dim3A_379 : vector<16xi1>, vector<16xf32>
        %mul3A_381 = arith.muli %select_n3A_251, %select_n3A_157 : i32
        %mul3A_382 = vector.broadcast %select_n3A_160 : i32 to vector<16xi32>
        %mul3A_383 = arith.muli %add3A_304, %mul3A_382 : vector<16xi32>
        %add3A_384 = vector.broadcast %mul3A_381 : i32 to vector<16xi32>
        %add3A_385 = arith.addi %add3A_384, %mul3A_383 : vector<16xi32>
        %mul3A_386 = vector.broadcast %select_n3A_162 : i32 to vector<16xi32>
        %mul3A_387 = arith.muli %add3A_306, %mul3A_386 : vector<16xi32>
        %add3A_388 = arith.addi %add3A_385, %mul3A_387 : vector<16xi32>
        %sort3A = arith.constant dense<true> : vector<16xi1>
        %sort3A_389, %sort3A_390, %sort3A_391 = tpu.sort %select_n3A_380, %add3A_388 masked %sort3A : (vector<16xf32>, vector<16xi32>, vector<16xi1>) -> (vector<16xi1>, vector<16xf32>, vector<16xi32>)
        %sort3A_392, %sort3A_393, %sort3A_394 = tpu.sort %select_n3A_380, %min3A_372 masked %sort3A : (vector<16xf32>, vector<16xf32>, vector<16xi1>) -> (vector<16xi1>, vector<16xf32>, vector<16xf32>)
        %lt3A_395 = arith.constant 1.000000e+04 : f32
        %lt3A_396 = vector.broadcast %lt3A_395 : f32 to vector<16xf32>
        %lt3A_397 = arith.cmpf olt, %sort3A_390, %lt3A_396 : vector<16xf32>
        %all_reduce_population_count3A = tpu.all_reduce %lt3A_397 {dim = 0 : i64, kind = #tpu.reduction_kind<sum>} : vector<16xi1> -> vector<16xi32>
        %min3A_398 = arith.constant 63 : i32
        %min3A_399 = vector.broadcast %min3A_398 : i32 to vector<16xi32>
        %min3A_400 = arith.minsi %while3A_248, %min3A_399 : vector<16xi32>
        %add3A_401 = arith.addi %min3A_400, %iota3A : vector<16xi32>
        tpu.vector_store_idx %arg7[%broadcast_in_dim3A_234, %add3A_401], %sort3A_391 masked %lt3A_397 : memref<65x63xi32, #tpu.memory_space<vmem>>[vector<16xi32>, vector<16xi32>], vector<16xi32>, vector<16xi1>
        tpu.vector_store_idx %arg8[%broadcast_in_dim3A_234, %add3A_401], %sort3A_390 masked %lt3A_397 : memref<65x63xf32, #tpu.memory_space<vmem>>[vector<16xi32>, vector<16xi32>], vector<16xf32>, vector<16xi1>
        tpu.vector_store_idx %arg9[%broadcast_in_dim3A_234, %add3A_401], %sort3A_394 masked %lt3A_397 : memref<65x63xf32, #tpu.memory_space<vmem>>[vector<16xi32>, vector<16xi32>], vector<16xf32>, vector<16xi1>
        %add3A_402 = arith.addi %while3A_248, %all_reduce_population_count3A : vector<16xi32>
        scf.yield %add3A_402 : vector<16xi32>
      }
      %while3A_245 = arith.constant 1 : i32
      %while3A_246 = scf.for %while3A_247 = %while3A_242 to %while3A_238 step %while3A_245 iter_args(%while3A_248 = %while3A_244) -> (vector<16xi32>)  : i32 {
        %add3A_249 = arith.addi %max3A_228, %while3A_247 : i32
        %sub3A_250 = arith.subi %min3A_230, %while3A_247 : i32
        %select_n3A_251 = arith.select %ge3A_164, %add3A_249, %sub3A_250 : i32
        %convert_element_type3A_252 = arith.sitofp %select_n3A_251 : i32 to f32
        %mul3A_253 = arith.constant 1.000000e-01 : f32
        %mul3A_254 = arith.mulf %convert_element_type3A_252, %mul3A_253 : f32
        %add3A_255 = arith.constant -1.000000e+00 : f32
        %add3A_256 = arith.addf %mul3A_254, %add3A_255 : f32
        %sub3A_257 = arith.constant 5.000000e-02 : f32
        %sub3A_258 = arith.subf %add3A_256, %sub3A_257 : f32
        %sub3A_259 = arith.subf %sub3A_258, %select_n3A_144 : f32
        %mul3A_260 = arith.mulf %sub3A_259, %select_n3A_148 : f32
        %add3A_261 = arith.constant 5.000000e-02 : f32
        %add3A_262 = arith.addf %add3A_256, %add3A_261 : f32
        %sub3A_263 = arith.subf %add3A_262, %select_n3A_144 : f32
        %mul3A_264 = arith.mulf %sub3A_263, %select_n3A_148 : f32
        %mul3A_265 = arith.mulf %mul3A_260, %select_n3A_150 : f32
        %add3A_266 = arith.addf %select_n3A_149, %mul3A_265 : f32
        %mul3A_267 = arith.mulf %mul3A_264, %select_n3A_150 : f32
        %add3A_268 = arith.addf %select_n3A_149, %mul3A_267 : f32
        %min3A_269 = arith.minimumf %add3A_266, %add3A_268 : f32
        %max3A_270 = arith.constant -1.000000e+01 : f32
        %max3A_271 = arith.maximumf %min3A_269, %max3A_270 : f32
        %min3A_272 = arith.constant 1.000000e+01 : f32
        %min3A_273 = arith.minimumf %max3A_271, %min3A_272 : f32
        %add3A_274 = arith.constant 1.050000e+00 : f32
        %add3A_275 = arith.addf %min3A_273, %add3A_274 : f32
        %mul3A_276 = arith.constant 1.000000e+01 : f32
        %mul3A_277 = arith.mulf %add3A_275, %mul3A_276 : f32
        %convert_element_type3A_278 = arith.fptosi %mul3A_277 : f32 to i32
        %convert_element_type3A_279 = arith.sitofp %convert_element_type3A_278 : i32 to f32
        %gt3A_280 = arith.cmpf ogt, %convert_element_type3A_279, %mul3A_277 : f32
        %sub3A_281 = arith.subi %convert_element_type3A_278, %scan3A_12 : i32
        %select_n3A_282 = arith.select %gt3A_280, %sub3A_281, %convert_element_type3A_278 : i32
        %sub3A_283 = arith.subi %select_n3A_282, %scan3A_12 : i32
        %mul3A_284 = arith.mulf %mul3A_260, %select_n3A_153 : f32
        %add3A_285 = arith.addf %select_n3A_152, %mul3A_284 : f32
        %mul3A_286 = arith.mulf %mul3A_264, %select_n3A_153 : f32
        %add3A_287 = arith.addf %select_n3A_152, %mul3A_286 : f32
        %min3A_288 = arith.minimumf %add3A_285, %add3A_287 : f32
        %max3A_289 = arith.constant -1.000000e+01 : f32
        %max3A_290 = arith.maximumf %min3A_288, %max3A_289 : f32
        %min3A_291 = arith.constant 1.000000e+01 : f32
        %min3A_292 = arith.minimumf %max3A_290, %min3A_291 : f32
        %add3A_293 = arith.constant 1.050000e+00 : f32
        %add3A_294 = arith.addf %min3A_292, %add3A_293 : f32
        %mul3A_295 = arith.constant 1.000000e+01 : f32
        %mul3A_296 = arith.mulf %add3A_294, %mul3A_295 : f32
        %convert_element_type3A_297 = arith.fptosi %mul3A_296 : f32 to i32
        %convert_element_type3A_298 = arith.sitofp %convert_element_type3A_297 : i32 to f32
        %gt3A_299 = arith.cmpf ogt, %convert_element_type3A_298, %mul3A_296 : f32
        %sub3A_300 = arith.subi %convert_element_type3A_297, %scan3A_12 : i32
        %select_n3A_301 = arith.select %gt3A_299, %sub3A_300, %convert_element_type3A_297 : i32
        %sub3A_302 = arith.subi %select_n3A_301, %scan3A_12 : i32
        %add3A_303 = vector.broadcast %sub3A_283 : i32 to vector<16xi32>
        %add3A_304 = arith.addi %add3A_303, %shift_right_arithmetic3A_6 : vector<16xi32>
        %add3A_305 = vector.broadcast %sub3A_302 : i32 to vector<16xi32>
        %add3A_306 = arith.addi %add3A_305, %and3A_8 : vector<16xi32>
        %bitcast3A = vector.bitcast %add3A_304 : vector<16xi32> to vector<16xi32>
        %lt3A_307 = arith.constant 21 : i32
        %lt3A_308 = vector.broadcast %lt3A_307 : i32 to vector<16xi32>
        %lt3A_309 = arith.cmpi ult, %bitcast3A, %lt3A_308 : vector<16xi32>
        %bitcast3A_310 = vector.bitcast %add3A_306 : vector<16xi32> to vector<16xi32>
        %lt3A_311 = arith.constant 21 : i32
        %lt3A_312 = vector.broadcast %lt3A_311 : i32 to vector<16xi32>
        %lt3A_313 = arith.cmpi ult, %bitcast3A_310, %lt3A_312 : vector<16xi32>
        %and3A_314 = arith.andi %lt3A_309, %lt3A_313 : vector<16xi1>
        %min3A_315 = arith.minimumf %mul3A_260, %mul3A_264 : f32
        %max3A_316 = arith.constant 0.000000e+00 : f32
        %max3A_317 = arith.maximumf %max3A_316, %min3A_315 : f32
        %max3A_318 = arith.maximumf %mul3A_260, %mul3A_264 : f32
        %min3A_319 = arith.constant 1.000000e+05 : f32
        %min3A_320 = arith.minimumf %min3A_319, %max3A_318 : f32
        %broadcast_in_dim3A_321 = vector.broadcast %max3A_317 : f32 to vector<16xf32>
        %broadcast_in_dim3A_322 = vector.broadcast %min3A_320 : f32 to vector<16xf32>
        %convert_element_type3A_323 = arith.sitofp %add3A_304 : vector<16xi32> to vector<16xf32>
        %mul3A_324 = arith.constant 1.000000e-01 : f32
        %mul3A_325 = vector.broadcast %mul3A_324 : f32 to vector<16xf32>
        %mul3A_326 = arith.mulf %convert_element_type3A_323, %mul3A_325 : vector<16xf32>
        %add3A_327 = arith.constant -1.000000e+00 : f32
        %add3A_328 = vector.broadcast %add3A_327 : f32 to vector<16xf32>
        %add3A_329 = arith.addf %mul3A_326, %add3A_328 : vector<16xf32>
        %sub3A_330 = arith.constant 5.000000e-02 : f32
        %sub3A_331 = vector.broadcast %sub3A_330 : f32 to vector<16xf32>
        %sub3A_332 = arith.subf %add3A_329, %sub3A_331 : vector<16xf32>
        %sub3A_333 = vector.broadcast %select_n3A_149 : f32 to vector<16xf32>
        %sub3A_334 = arith.subf %sub3A_332, %sub3A_333 : vector<16xf32>
        %mul3A_335 = vector.broadcast %select_n3A_151 : f32 to vector<16xf32>
        %mul3A_336 = arith.mulf %sub3A_334, %mul3A_335 : vector<16xf32>
        %add3A_337 = arith.constant 5.000000e-02 : f32
        %add3A_338 = vector.broadcast %add3A_337 : f32 to vector<16xf32>
        %add3A_339 = arith.addf %add3A_329, %add3A_338 : vector<16xf32>
        %sub3A_340 = vector.broadcast %select_n3A_149 : f32 to vector<16xf32>
        %sub3A_341 = arith.subf %add3A_339, %sub3A_340 : vector<16xf32>
        %mul3A_342 = vector.broadcast %select_n3A_151 : f32 to vector<16xf32>
        %mul3A_343 = arith.mulf %sub3A_341, %mul3A_342 : vector<16xf32>
        %min3A_344 = arith.minimumf %mul3A_336, %mul3A_343 : vector<16xf32>
        %max3A_345 = arith.maximumf %broadcast_in_dim3A_321, %min3A_344 : vector<16xf32>
        %max3A_346 = arith.maximumf %mul3A_336, %mul3A_343 : vector<16xf32>
        %min3A_347 = arith.minimumf %broadcast_in_dim3A_322, %max3A_346 : vector<16xf32>
        %convert_element_type3A_348 = arith.sitofp %add3A_306 : vector<16xi32> to vector<16xf32>
        %mul3A_349 = arith.constant 1.000000e-01 : f32
        %mul3A_350 = vector.broadcast %mul3A_349 : f32 to vector<16xf32>
        %mul3A_351 = arith.mulf %convert_element_type3A_348, %mul3A_350 : vector<16xf32>
        %add3A_352 = arith.constant -1.000000e+00 : f32
        %add3A_353 = vector.broadcast %add3A_352 : f32 to vector<16xf32>
        %add3A_354 = arith.addf %mul3A_351, %add3A_353 : vector<16xf32>
        %sub3A_355 = arith.constant 5.000000e-02 : f32
        %sub3A_356 = vector.broadcast %sub3A_355 : f32 to vector<16xf32>
        %sub3A_357 = arith.subf %add3A_354, %sub3A_356 : vector<16xf32>
        %sub3A_358 = vector.broadcast %select_n3A_152 : f32 to vector<16xf32>
        %sub3A_359 = arith.subf %sub3A_357, %sub3A_358 : vector<16xf32>
        %mul3A_360 = vector.broadcast %select_n3A_154 : f32 to vector<16xf32>
        %mul3A_361 = arith.mulf %sub3A_359, %mul3A_360 : vector<16xf32>
        %add3A_362 = arith.constant 5.000000e-02 : f32
        %add3A_363 = vector.broadcast %add3A_362 : f32 to vector<16xf32>
        %add3A_364 = arith.addf %add3A_354, %add3A_363 : vector<16xf32>
        %sub3A_365 = vector.broadcast %select_n3A_152 : f32 to vector<16xf32>
        %sub3A_366 = arith.subf %add3A_364, %sub3A_365 : vector<16xf32>
        %mul3A_367 = vector.broadcast %select_n3A_154 : f32 to vector<16xf32>
        %mul3A_368 = arith.mulf %sub3A_366, %mul3A_367 : vector<16xf32>
        %min3A_369 = arith.minimumf %mul3A_361, %mul3A_368 : vector<16xf32>
        %max3A_370 = arith.maximumf %max3A_345, %min3A_369 : vector<16xf32>
        %max3A_371 = arith.maximumf %mul3A_361, %mul3A_368 : vector<16xf32>
        %min3A_372 = arith.minimumf %min3A_347, %max3A_371 : vector<16xf32>
        %le3A = arith.cmpf ole, %max3A_370, %min3A_372 : vector<16xf32>
        %and3A_373 = arith.andi %le3A, %and3A_314 : vector<16xi1>
        %lt3A_374 = arith.constant 1.000000e+04 : f32
        %lt3A_375 = vector.broadcast %lt3A_374 : f32 to vector<16xf32>
        %lt3A_376 = arith.cmpf olt, %max3A_370, %lt3A_375 : vector<16xf32>
        %and3A_377 = arith.andi %and3A_373, %lt3A_376 : vector<16xi1>
        %jit3A_378 = arith.constant 1.000000e+04 : f32
        %broadcast_in_dim3A_379 = vector.broadcast %jit3A_378 : f32 to vector<16xf32>
        %select_n3A_380 = arith.select %and3A_377, %max3A_370, %broadcast_in_dim3A_379 : vector<16xi1>, vector<16xf32>
        %mul3A_381 = arith.muli %select_n3A_251, %select_n3A_157 : i32
        %mul3A_382 = vector.broadcast %select_n3A_160 : i32 to vector<16xi32>
        %mul3A_383 = arith.muli %add3A_304, %mul3A_382 : vector<16xi32>
        %add3A_384 = vector.broadcast %mul3A_381 : i32 to vector<16xi32>
        %add3A_385 = arith.addi %add3A_384, %mul3A_383 : vector<16xi32>
        %mul3A_386 = vector.broadcast %select_n3A_162 : i32 to vector<16xi32>
        %mul3A_387 = arith.muli %add3A_306, %mul3A_386 : vector<16xi32>
        %add3A_388 = arith.addi %add3A_385, %mul3A_387 : vector<16xi32>
        %sort3A = arith.constant dense<true> : vector<16xi1>
        %sort3A_389, %sort3A_390, %sort3A_391 = tpu.sort %select_n3A_380, %add3A_388 masked %sort3A : (vector<16xf32>, vector<16xi32>, vector<16xi1>) -> (vector<16xi1>, vector<16xf32>, vector<16xi32>)
        %sort3A_392, %sort3A_393, %sort3A_394 = tpu.sort %select_n3A_380, %min3A_372 masked %sort3A : (vector<16xf32>, vector<16xf32>, vector<16xi1>) -> (vector<16xi1>, vector<16xf32>, vector<16xf32>)
        %lt3A_395 = arith.constant 1.000000e+04 : f32
        %lt3A_396 = vector.broadcast %lt3A_395 : f32 to vector<16xf32>
        %lt3A_397 = arith.cmpf olt, %sort3A_390, %lt3A_396 : vector<16xf32>
        %all_reduce_population_count3A = tpu.all_reduce %lt3A_397 {dim = 0 : i64, kind = #tpu.reduction_kind<sum>} : vector<16xi1> -> vector<16xi32>
        %min3A_398 = arith.constant 63 : i32
        %min3A_399 = vector.broadcast %min3A_398 : i32 to vector<16xi32>
        %min3A_400 = arith.minsi %while3A_248, %min3A_399 : vector<16xi32>
        %add3A_401 = arith.addi %min3A_400, %iota3A : vector<16xi32>
        tpu.vector_store_idx %arg7[%broadcast_in_dim3A_234, %add3A_401], %sort3A_391 masked %lt3A_397 : memref<65x63xi32, #tpu.memory_space<vmem>>[vector<16xi32>, vector<16xi32>], vector<16xi32>, vector<16xi1>
        tpu.vector_store_idx %arg8[%broadcast_in_dim3A_234, %add3A_401], %sort3A_390 masked %lt3A_397 : memref<65x63xf32, #tpu.memory_space<vmem>>[vector<16xi32>, vector<16xi32>], vector<16xf32>, vector<16xi1>
        tpu.vector_store_idx %arg9[%broadcast_in_dim3A_234, %add3A_401], %sort3A_394 masked %lt3A_397 : memref<65x63xf32, #tpu.memory_space<vmem>>[vector<16xi32>, vector<16xi32>], vector<16xf32>, vector<16xi1>
        %add3A_402 = arith.addi %while3A_248, %all_reduce_population_count3A : vector<16xi32>
        scf.yield %add3A_402 : vector<16xi32>
      }
    }
    %scan3A_18 = arith.constant 64 : i32
    %dma_start3A = arith.constant 0 : i32
    %dma_start3A_19 = arith.constant 0 : i32
    %dma_start3A_20 = tpu.memref_slice %arg7[%dma_start3A, %dma_start3A_19] : memref<65x63xi32, #tpu.memory_space<vmem>> -> memref<64x63xi32, #tpu.memory_space<vmem>>
    %dma_start3A_21 = arith.constant 0 : i32
    %dma_start3A_22 = tpu.memref_slice %arg3[%mul3A_2, %dma_start3A_21] : memref<2048x63xi32, #tpu.memory_space<hbm>> -> memref<64x63xi32, #tpu.memory_space<hbm>>
    %dma_start3A_23 = arith.constant 0 : i32
    %dma_start3A_24 = tpu.memref_slice %arg3[%mul3A_2, %dma_start3A_23] : memref<2048x63xi32, #tpu.memory_space<hbm>> -> memref<64x63xi32, #tpu.memory_space<hbm>>
    %dma_start3A_25 = arith.constant 0 : i32
    %dma_start3A_26 = arith.constant 0 : i32
    %dma_start3A_27 = tpu.memref_slice %arg7[%dma_start3A_25, %dma_start3A_26] : memref<65x63xi32, #tpu.memory_space<vmem>> -> memref<64x63xi32, #tpu.memory_space<vmem>>
    tpu.enqueue_dma source(%dma_start3A_27 : memref<64x63xi32, #tpu.memory_space<vmem>>) target(%dma_start3A_24 : memref<64x63xi32, #tpu.memory_space<hbm>>) target_semaphore(%arg10 : memref<!tpu.dma_semaphore, #tpu.memory_space<semaphore_mem>>)
    %dma_start3A_28 = arith.constant 0 : i32
    %dma_start3A_29 = arith.constant 0 : i32
    %dma_start3A_30 = tpu.memref_slice %arg8[%dma_start3A_28, %dma_start3A_29] : memref<65x63xf32, #tpu.memory_space<vmem>> -> memref<64x63xf32, #tpu.memory_space<vmem>>
    %dma_start3A_31 = arith.constant 0 : i32
    %dma_start3A_32 = tpu.memref_slice %arg4[%mul3A_2, %dma_start3A_31] : memref<2048x63xf32, #tpu.memory_space<hbm>> -> memref<64x63xf32, #tpu.memory_space<hbm>>
    %dma_start3A_33 = arith.constant 0 : i32
    %dma_start3A_34 = tpu.memref_slice %arg4[%mul3A_2, %dma_start3A_33] : memref<2048x63xf32, #tpu.memory_space<hbm>> -> memref<64x63xf32, #tpu.memory_space<hbm>>
    %dma_start3A_35 = arith.constant 0 : i32
    %dma_start3A_36 = arith.constant 0 : i32
    %dma_start3A_37 = tpu.memref_slice %arg8[%dma_start3A_35, %dma_start3A_36] : memref<65x63xf32, #tpu.memory_space<vmem>> -> memref<64x63xf32, #tpu.memory_space<vmem>>
    tpu.enqueue_dma source(%dma_start3A_37 : memref<64x63xf32, #tpu.memory_space<vmem>>) target(%dma_start3A_34 : memref<64x63xf32, #tpu.memory_space<hbm>>) target_semaphore(%arg10 : memref<!tpu.dma_semaphore, #tpu.memory_space<semaphore_mem>>)
    %dma_start3A_38 = arith.constant 0 : i32
    %dma_start3A_39 = arith.constant 0 : i32
    %dma_start3A_40 = tpu.memref_slice %arg9[%dma_start3A_38, %dma_start3A_39] : memref<65x63xf32, #tpu.memory_space<vmem>> -> memref<64x63xf32, #tpu.memory_space<vmem>>
    %dma_start3A_41 = arith.constant 0 : i32
    %dma_start3A_42 = tpu.memref_slice %arg5[%mul3A_2, %dma_start3A_41] : memref<2048x63xf32, #tpu.memory_space<hbm>> -> memref<64x63xf32, #tpu.memory_space<hbm>>
    %dma_start3A_43 = arith.constant 0 : i32
    %dma_start3A_44 = tpu.memref_slice %arg5[%mul3A_2, %dma_start3A_43] : memref<2048x63xf32, #tpu.memory_space<hbm>> -> memref<64x63xf32, #tpu.memory_space<hbm>>
    %dma_start3A_45 = arith.constant 0 : i32
    %dma_start3A_46 = arith.constant 0 : i32
    %dma_start3A_47 = tpu.memref_slice %arg9[%dma_start3A_45, %dma_start3A_46] : memref<65x63xf32, #tpu.memory_space<vmem>> -> memref<64x63xf32, #tpu.memory_space<vmem>>
    tpu.enqueue_dma source(%dma_start3A_47 : memref<64x63xf32, #tpu.memory_space<vmem>>) target(%dma_start3A_44 : memref<64x63xf32, #tpu.memory_space<hbm>>) target_semaphore(%arg10 : memref<!tpu.dma_semaphore, #tpu.memory_space<semaphore_mem>>)
    %dma_wait3A = arith.constant 0 : i32
    %dma_wait3A_48 = arith.constant 0 : i32
    %dma_wait3A_49 = tpu.memref_slice %arg7[%dma_wait3A, %dma_wait3A_48] : memref<65x63xi32, #tpu.memory_space<vmem>> -> memref<64x63xi32, #tpu.memory_space<vmem>>
    %dma_wait3A_50 = arith.constant 0 : i32
    %dma_wait3A_51 = tpu.memref_slice %arg3[%mul3A_2, %dma_wait3A_50] : memref<2048x63xi32, #tpu.memory_space<hbm>> -> memref<64x63xi32, #tpu.memory_space<hbm>>
    %dma_wait3A_52 = arith.constant 0 : i32
    %dma_wait3A_53 = tpu.memref_slice %arg3[%mul3A_2, %dma_wait3A_52] : memref<2048x63xi32, #tpu.memory_space<hbm>> -> memref<64x63xi32, #tpu.memory_space<hbm>>
    %dma_wait3A_54 = arith.constant 0 : i32
    %dma_wait3A_55 = arith.constant 0 : i32
    %dma_wait3A_56 = tpu.memref_slice %arg7[%dma_wait3A_54, %dma_wait3A_55] : memref<65x63xi32, #tpu.memory_space<vmem>> -> memref<64x63xi32, #tpu.memory_space<vmem>>
    tpu.wait_dma2 semaphore(%arg10 : memref<!tpu.dma_semaphore, #tpu.memory_space<semaphore_mem>>) src(%dma_wait3A_56 : memref<64x63xi32, #tpu.memory_space<vmem>>) dst(%dma_wait3A_53 : memref<64x63xi32, #tpu.memory_space<hbm>>)
    %dma_wait3A_57 = arith.constant 0 : i32
    %dma_wait3A_58 = arith.constant 0 : i32
    %dma_wait3A_59 = tpu.memref_slice %arg8[%dma_wait3A_57, %dma_wait3A_58] : memref<65x63xf32, #tpu.memory_space<vmem>> -> memref<64x63xf32, #tpu.memory_space<vmem>>
    %dma_wait3A_60 = arith.constant 0 : i32
    %dma_wait3A_61 = tpu.memref_slice %arg4[%mul3A_2, %dma_wait3A_60] : memref<2048x63xf32, #tpu.memory_space<hbm>> -> memref<64x63xf32, #tpu.memory_space<hbm>>
    %dma_wait3A_62 = arith.constant 0 : i32
    %dma_wait3A_63 = tpu.memref_slice %arg4[%mul3A_2, %dma_wait3A_62] : memref<2048x63xf32, #tpu.memory_space<hbm>> -> memref<64x63xf32, #tpu.memory_space<hbm>>
    %dma_wait3A_64 = arith.constant 0 : i32
    %dma_wait3A_65 = arith.constant 0 : i32
    %dma_wait3A_66 = tpu.memref_slice %arg8[%dma_wait3A_64, %dma_wait3A_65] : memref<65x63xf32, #tpu.memory_space<vmem>> -> memref<64x63xf32, #tpu.memory_space<vmem>>
    tpu.wait_dma2 semaphore(%arg10 : memref<!tpu.dma_semaphore, #tpu.memory_space<semaphore_mem>>) src(%dma_wait3A_66 : memref<64x63xf32, #tpu.memory_space<vmem>>) dst(%dma_wait3A_63 : memref<64x63xf32, #tpu.memory_space<hbm>>)
    %dma_wait3A_67 = arith.constant 0 : i32
    %dma_wait3A_68 = arith.constant 0 : i32
    %dma_wait3A_69 = tpu.memref_slice %arg9[%dma_wait3A_67, %dma_wait3A_68] : memref<65x63xf32, #tpu.memory_space<vmem>> -> memref<64x63xf32, #tpu.memory_space<vmem>>
    %dma_wait3A_70 = arith.constant 0 : i32
    %dma_wait3A_71 = tpu.memref_slice %arg5[%mul3A_2, %dma_wait3A_70] : memref<2048x63xf32, #tpu.memory_space<hbm>> -> memref<64x63xf32, #tpu.memory_space<hbm>>
    %dma_wait3A_72 = arith.constant 0 : i32
    %dma_wait3A_73 = tpu.memref_slice %arg5[%mul3A_2, %dma_wait3A_72] : memref<2048x63xf32, #tpu.memory_space<hbm>> -> memref<64x63xf32, #tpu.memory_space<hbm>>
    %dma_wait3A_74 = arith.constant 0 : i32
    %dma_wait3A_75 = arith.constant 0 : i32
    %dma_wait3A_76 = tpu.memref_slice %arg9[%dma_wait3A_74, %dma_wait3A_75] : memref<65x63xf32, #tpu.memory_space<vmem>> -> memref<64x63xf32, #tpu.memory_space<vmem>>
    tpu.wait_dma2 semaphore(%arg10 : memref<!tpu.dma_semaphore, #tpu.memory_space<semaphore_mem>>) src(%dma_wait3A_76 : memref<64x63xf32, #tpu.memory_space<vmem>>) dst(%dma_wait3A_73 : memref<64x63xf32, #tpu.memory_space<hbm>>)
    return
  }
}

</mosaic_0001>

<sc_bundles>
// kernel: kernel.3.cloned.1.call-start
scs
__scs_entry_jumppad:
0x0: {  	(pc) =	sbr.rel $0x88, $3  }
0x1: {  	(tag) =	ssettag $0x0;
	lr =	simm.s32 $0x1  }
0x2: {  	[smem:$0x3F9F] =	sst lr;
	_ =	strace $0xD0000000  }
0x3: {  	_ = 	snop  }
0x4: {  	_ = 	snop  }
0x5: {  	_ = 	snop  }
0x6: {  	_ = 	snop  }
0x7: {  	_ = 	snop  }
__scs_overlays_trampoline_lowered:
0x8: {  	[smem:$0x3FAE] =	sst s0  }
0x9: {  	[smem:$0x3FAF] =	sst s1  }
0xa: {  	[smem:$0x3FB0] =	sst s2  }
0xb: {  	[smem:$0x3FB1] =	sst s3  }
0xc: {  	[smem:$0x3FB2] =	sst s4  }
0xd: {  	[smem:$0x3FB3] =	sst s5  }
0xe: {  	[smem:$0x3FB4] =	sst s6  }
0xf: {  	[smem:$0x3FB5] =	sst s7  }
0x10: {  	[smem:$0x3FB6] =	sst s8  }
0x11: {  	[smem:$0x3FB7] =	sst s9;
	s0 =	simm.s32 @!p0 $0x0  }
0x12: {  	s1 =	sld [smem:$0x3F9D];
	s0 =	simm.s32 @p0 $0x1  }
0x13: {  	[smem:$0x3FB8] =	sst s0;
	s0 =	simm.s32 @!p1 $0x0  }
0x14: {  	s2 =	sld [smem:$0x3F9C];
	s0 =	simm.s32 @p1 $0x1  }
0x15: {  	[smem:$0x3FB9] =	sst s0;
	s0 =	simm.s32 @!p2 $0x0  }
0x16: {  	s3 =	sld [smem:$0x3FDB];
	s0 =	simm.s32 @p2 $0x1  }
0x17: {  	s4 =	simm.s32 $0x1BF5;
	[smem:$0x3FBB] =	sst s0  }
0x18: {  	s0 =	sld [smem:$0x3F9E];
	_ =	swait.ge [sflag:s4], $0x0  }
0x19: {  	s7 =	sld [smem:$0x3F9F]  }
0x1a: {  	s8 =	sadd.s32 $0xFFFFE003, lr  }
0x1b: {  	s9 =	sadd.s32 $0xFFFFFEF7, lr;
	s5 =	simm.s32 $0xFFFFFFFF;
	p2 =	slt.u32 s8, $0xFFFFF086  }
0x1c: {  	p1 =	slt.u32 s9, $0xF7A;
	s5 =	simm.s32 @!p2 $0x0  }
0x1d: {  	s5 =	simm.s32 @p1 $0x1;
	p0 =	seq.s32 s7, s2  }
0x1e: {  	s7 =	smul.u32 @!p0 $0xF7A, s2;
	p2 =	seq.s32 @!p0 s5, $0x0  }
0x1f: {  	s9 =	smul.u32 $0xF7A, s1;
	s8 =	simm.s32 @!p0 $0x1BF5;
	p2 =	por !p2, p0  }
0x20: {  	[sflag:s8] =	ssyncset.s32 @!p0 $0xFFFFF086;
	s6 =	sadd.s32 @!p0 s3, s7;
	s7 =	simm.s32 @!p0 $0x108  }
0x21: {  	s3 =	sadd.s32 s3, s9;
	s6 =	sadd.s32 @!p0 $0x88, s6;
	s7 =	simm.s32 @p2 $0x1082  }
0x22: {  	[simem:s7], [sflag:s8] =	dma.local @!p0 [hbm:s6], $0xF7A  }
0x23: {  	s9 =	sor.u32 $0xD0000000, s2;
	s6 =	simm.s32 $0x108;
	_ =	swait.ge @!p0 [sflag:s8], $0x0  }
0x24: {  	s3 =	sadd.s32 $0x88, s3;
	s6 =	simm.s32 @!p1 $0x1082;
	[sflag:s4] =	ssyncset.s32 $0xFFFFF086  }
0x25: {  	[simem:s6], [sflag:s4] =	dma.local [hbm:s3], $0xF7A  }
0x26: {  	[smem:$0x3F9F] =	sst s1;
	(tag) =	ssettag s2;
	_ =	strace s9  }
0x27: {  	s1 =	sld [smem:$0x3FAF]  }
0x28: {  	s2 =	sld [smem:$0x3FB0]  }
0x29: {  	s4 =	sld [smem:$0x3FB2]  }
0x2a: {  	p0 =	seq.s32 s5, $0x0;
	s5 =	sld [smem:$0x3FB3]  }
0x2b: {  	s6 =	sld [smem:$0x3FB4]  }
0x2c: {  	s7 =	sld [smem:$0x3FB5]  }
0x2d: {  	s3 =	simm.s32 $0x108;
	s8 =	sld [smem:$0x3FB6]  }
0x2e: {  	s3 =	simm.s32 @!p0 $0x1082;
	s9 =	sld [smem:$0x3FB7]  }
0x2f: {  	lr =	sadd.s32 s0, s3;
	s0 =	sld [smem:$0x3FAE]  }
0x30: {  	s3 =	sld [smem:$0x3FB1]  }
0x31: {  	[smem:$0x3FBA] =	sst s10  }
0x32: {  	s10 =	sld [smem:$0x3FB8];
	_ =	sdelay $0x3  }
0x33: {  	p0 =	seq.s32 s10, $0x1;
	s10 =	sld [smem:$0x3FBA];
	_ =	sdelay $0x3  }
0x34: {  	[smem:$0x3FBA] =	sst s10  }
0x35: {  	s10 =	sld [smem:$0x3FB9];
	_ =	sdelay $0x3  }
0x36: {  	p1 =	seq.s32 s10, $0x1;
	s10 =	sld [smem:$0x3FBA];
	_ =	sdelay $0x3  }
0x37: {  	[smem:$0x3FBA] =	sst s10  }
0x38: {  	s10 =	sld [smem:$0x3FBB]  }
0x39: {  	_ = 	snop;
	(pc) =	sbr.ind lr, $3  }
0x3a: {  	_ = 	snop  }
0x3b: {  	_ = 	snop  }
0x3c: {  	p2 =	seq.s32 s10, $0x1;
	s10 =	sld [smem:$0x3FBA]  }
0x3d: {  	_ =	shalt  }
0x3e: {  	_ =	shalt  }
0x3f: {  	_ =	shalt  }
0x40: {  	_ =	shalt  }
0x41: {  	_ =	shalt  }
0x42: {  	_ =	shalt  }
0x43: {  	_ =	shalt  }
0x44: {  	_ =	shalt  }
0x45: {  	_ =	shalt  }
0x46: {  	_ =	shalt  }
0x47: {  	_ =	shalt  }
0x48: {  	_ =	shalt  }
0x49: {  	_ =	shalt  }
0x4a: {  	_ =	shalt  }
0x4b: {  	_ =	shalt  }
0x4c: {  	_ =	shalt  }
0x4d: {  	_ =	shalt  }
0x4e: {  	_ =	shalt  }
0x4f: {  	_ =	shalt  }
0x50: {  	_ =	shalt  }
0x51: {  	_ =	shalt  }
0x52: {  	_ =	shalt  }
0x53: {  	_ =	shalt  }
0x54: {  	_ =	shalt  }
0x55: {  	_ =	shalt  }
0x56: {  	_ =	shalt  }
0x57: {  	_ =	shalt  }
0x58: {  	_ =	shalt  }
0x59: {  	_ =	shalt  }
0x5a: {  	_ =	shalt  }
0x5b: {  	_ =	shalt  }
0x5c: {  	_ =	shalt  }
0x5d: {  	_ =	shalt  }
0x5e: {  	_ =	shalt  }
0x5f: {  	_ =	shalt  }
0x60: {  	_ =	shalt  }
0x61: {  	_ =	shalt  }
0x62: {  	_ =	shalt  }
0x63: {  	_ =	shalt  }
0x64: {  	_ =	shalt  }
0x65: {  	_ =	shalt  }
0x66: {  	_ =	shalt  }
0x67: {  	_ =	shalt  }
0x68: {  	_ =	shalt  }
0x69: {  	_ =	shalt  }
0x6a: {  	_ =	shalt  }
0x6b: {  	_ =	shalt  }
0x6c: {  	_ =	shalt  }
0x6d: {  	_ =	shalt  }
0x6e: {  	_ =	shalt  }
0x6f: {  	_ =	shalt  }
0x70: {  	_ =	shalt  }
0x71: {  	_ =	shalt  }
0x72: {  	_ =	shalt  }
0x73: {  	_ =	shalt  }
0x74: {  	_ =	shalt  }
0x75: {  	_ =	shalt  }
0x76: {  	_ =	shalt  }
0x77: {  	_ =	shalt  }
0x78: {  	_ =	shalt  }
0x79: {  	_ =	shalt  }
0x7a: {  	_ =	shalt  }
0x7b: {  	_ =	shalt  }
0x7c: {  	_ =	shalt  }
0x7d: {  	_ =	shalt  }
0x7e: {  	_ =	shalt  }
0x7f: {  	_ =	shalt  }
0x80: {  	_ =	shalt  }
0x81: {  	_ =	shalt  }
0x82: {  	_ =	shalt  }
0x83: {  	_ =	shalt  }
0x84: {  	_ =	shalt  }
0x85: {  	_ =	shalt  }
0x86: {  	_ =	shalt  }
0x87: {  	_ =	shalt  }
.Lfunc_end0:
.L_simem_size_0:
called_computation_lowered:
.L_overlay_start_0:
0x88: {  	s2 =	sld [smem:$0x3FD9]  }
0x89: {  	s3 =	sld [smem:$0x3FFE];
	_ =	sdelay $0x1  }
0x8a: {  	s1 =	srdreg.scid  }
0x8b: {  	s0 =	sand.u32 $0x1, s1  }
0x8c: {  	s14 =	sshll.u32 s0, $0xA;
	s2 =	sadd.s32 s3, s2  }
0x8d: {  	s2 =	sadd.s32 s2, s14  }
0x8e: {  	[smem:$0x3FC6] =	sst s2  }
0x8f: {  	_ = 	snop  }
0x90: {  	s2 =	sld [smem:$0x3FD0];
	_ =	sdelay $0x2  }
0x91: {  	s15 =	simm.s32 $0xA;
	s4 =	simm.s32 $0x10  }
0x92: {  	[smem:s4], [sflag:s15] =	dma.local [hbm:s2], $0x1  }
0x93: {  	_ =	swait.eq [sflag:s15], $0x1  }
0x94: {  	[sflag:s15] =	ssyncset.done $0x0  }
0x95: {  	[sflag:s15] =	ssyncadd.s32 $0xFFFFFFFF  }
0x96: {  	s16 =	sld [smem:$0x12];
	(tm) =	ssettm $0x1  }
0x97: {  	s17 =	sld [smem:$0x3FFB];
	_ =	sdelay $0x3  }
0x98: {  	_ =	strace s17  }
0x99: {  	s3 =	sld [smem:$0x3FFC];
	_ =	sdelay $0x3  }
0x9a: {  	_ =	strace s3  }
0x9b: {  	s3 =	sld [smem:$0x3FFD];
	_ =	sdelay $0x3  }
0x9c: {  	_ =	strace s3  }
0x9d: {  	_ =	strace $0x8FFFFFFF  }
0x9e: {  	s18 =	sld [smem:$0x3FDB];
	_ =	sdelay $0x1  }
0x9f: {  	s19 =	simm.s32 $_scs_section_size  }
0xa0: {  	s5 =	simm.s32 $_size__tile_overlayer_lowered;
	s6 =	simm.s32 $_tile_overlayer_lowered  }
0xa1: {  	s22 =	simm.s32 $0x1BFF;
	s21 =	sshll.u32 s6, $0x1;
	s3 =	sadd.s32 s19, s18  }
0xa2: {  	s7 =	simm.s32 $0x0;
	s20 =	sshll.u32 s5, $0x1;
	s5 =	sadd.s32 s21, s3  }
0xa3: {  	[timem:s7], [sflag:s22] =	dma.local [hbm:s5], s20  }
0xa4: {  	_ =	swait.ge [sflag:s22], s20  }
0xa5: {  	s4 =	ssub.s32 $0x0, s20;
	[sflag:s22] =	ssyncset.done $0x0  }
0xa6: {  	[sflag:s22] =	ssyncadd.s32 s4;
	_ =	sdelay $0x1  }
0xa7: {  	s23 =	simm.s32 $0x1B8B  }
0xa8: {  	_ =	swait.ge [sflag:s23], $0x1  }
0xa9: {  	[sflag:s23] =	ssyncset.done $0x0  }
0xaa: {  	s25 =	simm.s32 $0x1B8E;
	s24 =	sld [smem:$0x3FFE];
	[sflag:s23] =	ssyncadd.s32 $0xFFFFFFFF  }
0xab: {  	s26 =	simm.s32 $execute0_lowered;
	[smem:$0x3FD2] =	sst s25  }
0xac: {  	s5 =	sshll.u32 s26, $0x1;
	_ =	strace $0x80000046;
	[dreg:$0x1] =	wrdreg $0xFFFFFFFF  }
0xad: {  	s28 =	simm.s32 $_size_execute0_lowered;
	s3 =	sadd.s32 s3, s5;
	[dreg:$0x0] =	wrdreg $0x0  }
0xae: {  	s5 =	sshll.u32 s28, $0x1;
	[dreg:$0x2] =	wrdreg s3  }
0xaf: {  	[dreg:$0x3] =	wrdreg s5  }
0xb0: {  	[dreg:$0x4] =	wrdreg $0xC0  }
0xb1: {  	_ =	task [dreg:s7], $0x5FFFF  }
0xb2: {  	[dreg:$0x1] =	wrdreg $0xFFFFFFFF  }
0xb3: {  	[dreg:$0x0] =	wrdreg $0x60  }
0xb4: {  	[dreg:$0x2] =	wrdreg s16  }
0xb5: {  	[dreg:$0x3] =	wrdreg s24  }
0xb6: {  	[dreg:$0x4] =	wrdreg $0x9  }
0xb7: {  	_ =	task.clear_ibuf [dreg:s7], $0x5FFFF;
	_ =	strace $0x90000046  }
0xb8: {  	s29 =	simm.s32 $0x9;
	_ =	strace $0x80000048  }
0xb9: {  	_ =	swait.ge [sflag:s29], $0x1  }
0xba: {  	[sflag:s29] =	ssyncadd.s32 $0xFFFFFFFF  }
0xbb: {  	_ =	strace $0x90000048  }
0xbc: {  	_ =	sfence  }
0xbd: {  	s30 =	sld [smem:$0x0];
	_ =	sdelay $0x2  }
0xbe: {  	s31 =	sshll.u32 s1, $0xD;
	s1 =	sshrl.u32 s1, $0x2  }
0xbf: {  	s3 =	sand.u32 $0x4000, s31;
	s1 =	sadd.s32 s1, s30  }
0xc0: {  	s0 =	sor.u32 s3, s0;
	s1 =	sshll.u32 s1, $0x11  }
0xc1: {  	s0 =	sor.u32 s1, s0  }
0xc2: {  	s0 =	sadd.s32 $0x8F2B, s0  }
0xc3: {  	[sflag:s0] =	ssyncadd.remote.s32 $0x1  }
0xc4: {  	_ =	sfence.sel $0xFFFF  }
0xc5: {  	[dreg:$0x0] =	wrdreg $0xFFFFFFFF;
	(pc) =	sbr.abs _section_cstart, $3  }
0xc6: {  	[dreg:$0x1] =	wrdreg $0xFFFFFFFF  }
0xc7: {  	_ =	task.clear_ibuf [dreg:s7], $0x2FFFF;
	_ =	strace $0x9FFFFFFF  }
0xc8: {  	(tm) =	ssettm $0x7FFFFFFF  }
0xc9: {  	_ =	shalt  }
tec
execute0_lowered:
.L_overlay_start_1:
0x0: {  	(tag) =	ssettag $0x1  }
0x1: {  	s0 =	rddreg [dreg:$0x0]  }
0x2: {  	s1 =	rddreg [dreg:$0x1]  }
0x3: {  	s3 =	srdreg.scid;
	s4 =	stileid.u32;
	s2 =	simm.s32 $0x0  }
0x4: {  	s9 =	simm.s32 $0x1;
	s3 =	sand.u32 $0x1, s3;
	s4 =	sshll.u32 s4, $0x1  }
0x5: {  	s10 =	simm.s32 $0x400;
	[smem:$0x7FF] =	sst s2;
	s4 =	sor.u32 s3, s4  }
0x6: {  	_ =	strace $0x80000047;
	s5 =	sshll.u32 s4, $0xA;
	s4 =	sshll.u32 s4, $0x7  }
0x7: {  	s3 =	ssub.s32 $0x2, s3;
	s1 =	sadd.s32 s5, s1;
	s0 =	sadd.s32 s0, s4  }
.Ltmp0:
0x8: {  	[dreg:$0x5] =	wrdreg s0;
	s28 =	sadd.s32 $0xE00, s1;
	(pc) =	sbr.rel .LBB2_1-.Ltmp0, $4  }
0x9: {  	s26 =	sshrl.u32 s3, $0x1;
	s29 =	sadd.s32 $0x8E00, s1;
	[dreg:$0x6] =	wrdreg s28  }
0xa: {  	s7 =	ssub.s32 s3, s26;
	s30 =	sadd.s32 $0x10E00, s1;
	[dreg:$0x7] =	wrdreg s29  }
0xb: {  	v0 =	vimm.s32 $0xFFFFFFFF;
	v1 =	vlaneseq.u32;
	s11 =	simm.s32 $0x2800;
	s31 =	smax.u32 s7, $0x1;
	[dreg:$0x8] =	wrdreg s30  }
0xc: {  	v2 =	vimm.f32 $1.000000000e+04;
	s12 =	simm.s32 $0x4C00;
	s13 =	simm.s32 $0x0;
	v3 =	vshrl.u32 v1, $0x2;
	v4 =	vand.u32 $0x3, v1;
	[dreg:$0x9] =	wrdreg s31  }
.LBB2_15:
0xd: {  	s0 =	rddreg [dreg:$0x6]  }
0xe: {  	[hbm4b:s0+s2] =	stream.linear.scatter [tilespmem:s10], [sflag:$0x1], $0x2000, $0x38;
	[tilespmem:$0x7000] =	vst v63  }
0xf: {  	s29 =	rddreg [dreg:$0x7]  }
0x10: {  	[hbm4b:s29+s2] =	stream.linear.scatter [tilespmem:s11], [sflag:$0x1], $0x2000, $0x38;
	[tilespmem:$0x7000] =	vst v63  }
0x11: {  	s30 =	rddreg [dreg:$0x8]  }
0x12: {  	[hbm4b:s30+s2] =	stream.linear.scatter [tilespmem:s12], [sflag:$0x1], $0x2000, $0x38;
	[tilespmem:$0x7000] =	vst v63  }
0x13: {  	_ =	swait.ge [sflag:s9], $0x2000  }
0x14: {  	[sflag:s9] =	ssyncset.done $0x0  }
0x15: {  	[sflag:s9] =	ssyncadd.s32 $0xFFFFE000  }
0x16: {  	_ =	swait.ge [sflag:s9], $0x2000  }
0x17: {  	[sflag:s9] =	ssyncset.done $0x0  }
0x18: {  	[sflag:s9] =	ssyncadd.s32 $0xFFFFE000  }
0x19: {  	_ =	swait.ge [sflag:s9], $0x2000  }
0x1a: {  	s13 =	sadd.s32 $0x1, s13;
	s31 =	rddreg [dreg:$0x9]  }
0x1b: {  	p0 =	sne.s32 s13, s31  }
.Ltmp1:
0x1c: {  	_ = 	snop;
	(pc) =	sbr.rel @!p0 .LBB2_16-.Ltmp1, $3  }
0x1d: {  	_ =	sdelay $0x1  }
0x1e: {  	[sflag:s9] =	ssyncset.done $0x0  }
0x1f: {  	[sflag:s9] =	ssyncadd.s32 $0xFFFFE000  }
.LBB2_1:
.Ltmp2:
0x20: {  	s0 =	rddreg [dreg:$0x5];
	s31 =	simm.s32 $0x2;
	(pc) =	sbr.rel .LBB2_2-.Ltmp2, $4  }
0x21: {  	[tilespmem:s2], [sflag:$0x2] =	stream.linear.gather [hbm4b:s0+s2], $0x400, $0x38;
	[tilespmem:$0x7000] =	vst v63  }
0x22: {  	_ =	swait.ge [sflag:s31], $0x400  }
0x23: {  	[sflag:s31] =	ssyncset.done $0x0  }
0x24: {  	s14 =	simm.s32 $0x0;
	[sflag:s31] =	ssyncadd.s32 $0xFFFFFC00  }
.LBB2_4:
0x25: {  	s26 =	smov.u32 s22;
	s29 =	smov.u32 s24;
	v16 =	vimm.s32 $0x0  }
.LBB2_13:
0x26: {  	s0 =	smul.f32 s26, s18  }
0x27: {  	s3 =	smul.f32 s29, s18  }
0x28: {  	s4 =	smul.f32 s26, s17;
	s0 =	sadd.f32 s0, s16  }
0x29: {  	s5 =	smul.f32 s29, s17;
	s3 =	sadd.f32 s3, s16  }
0x2a: {  	s4 =	sadd.f32 s4, s15  }
0x2b: {  	s5 =	sadd.f32 s5, s15  }
0x2c: {  	s0 =	smin.f32 s0, s3  }
0x2d: {  	s16 =	smin.f32 s4, s5;
	s0 =	smax.f32 s0, $-1.000000000e+01  }
0x2e: {  	s17 =	smax.f32 s16, $-1.000000000e+01;
	s0 =	smin.f32 s0, $1.000000000e+01  }
0x2f: {  	v19 =	vadd.s32 @p0 s1, v3;
	s1 =	smin.f32 s17, $1.000000000e+01;
	s0 =	sadd.f32 $1.049999950e+00, s0  }
0x30: {  	v20 =	vcvt.s32.f32 @p0 v14;
	s1 =	sadd.f32 $1.049999950e+00, s1  }
0x31: {  	v21 =	vcvt.s32.f32 @p0 v19;
	s0 =	smul.f32 $1.000000000e+01, s0  }
0x32: {  	v20 =	vmul.f32 @p0 $1.000000010e-01, v20;
	s1 =	smul.f32 $1.000000000e+01, s1  }
0x33: {  	v21 =	vmul.f32 @p0 $1.000000010e-01, v21;
	s18 =	scvt.f32.s32 s0  }
0x34: {  	v20 =	vadd.f32 @p0 $-1.000000000e+00, v20;
	s21 =	scvt.f32.s32 s1  }
0x35: {  	v21 =	vadd.f32 @p0 $-1.000000000e+00, v21;
	s23 =	scvt.s32.f32 s18  }
0x36: {  	v22 =	vadd.f32 @p0 $-5.000000070e-02, v20;
	v20 =	vadd.f32 @p0 $5.000000070e-02, v20;
	s6 =	scvt.s32.f32 s21  }
0x37: {  	v23 =	vadd.f32 @p0 $-5.000000070e-02, v21;
	v21 =	vadd.f32 @p0 $5.000000070e-02, v21;
	p3 =	slt.f32 s0, s23  }
0x38: {  	v22 =	vsub.f32 @p0 v22, v12;
	v20 =	vsub.f32 @p0 v20, v12;
	p4 =	slt.f32 s1, s6;
	s0 =	simm.s32 $0x1  }
0x39: {  	vm2 =	vlt.u32 @p0 v14, $0x15;
	v14 =	vmul.u32 @p0 v8, v14;
	s5 =	simm.s32 $0x1;
	v23 =	vsub.f32 @p0 v23, v10;
	s0 =	simm.s32 @!p3 $0x0  }
0x3a: {  	v21 =	vsub.f32 @p0 v21, v10;
	v22 =	vmul.f32 @p0 v22, v11;
	v20 =	vmul.f32 @p0 v20, v11;
	s5 =	simm.s32 @!p4 $0x0;
	s0 =	sxor.u32 $0xFFFFFFFF, s0  }
0x3b: {  	vm1 =	vlt.u32 @p0 v19, $0x15;
	v19 =	vmul.u32 @p0 v7, v19;
	v23 =	vmul.f32 @p0 v23, v9;
	s5 =	sxor.u32 $0xFFFFFFFF, s5;
	s0 =	sadd.s32 s18, s0  }
0x3c: {  	v21 =	vmul.f32 @p0 v21, v9;
	v24 =	vmin.f32 @p0 v22, v20;
	s25 =	sadd.s32 s21, s5;
	v43 =	vadd.s32 s0, v4  }
0x3d: {  	v20 =	vmax.f32 @p0 v22, v20;
	s1 =	smin.f32 @p0 s22, s24;
	s6 =	smax.f32 @p0 s22, s24;
	v26 =	vadd.s32 s25, v3;
	v27 =	vcvt.s32.f32 v43  }
0x3e: {  	v25 =	vmin.f32 @p0 v23, v21;
	v21 =	vmax.f32 @p0 v23, v21;
	s1 =	smax.f32 @p0 s1, $0.0e+00;
	s3 =	smin.f32 @p0 s6, $1.000000000e+05;
	v44 =	vcvt.s32.f32 v26  }
0x3f: {  	v23 =	vmax.f32 @p0 v25, s1;
	v21 =	vmin.f32 @p0 v21, s3;
	v45 =	vmul.f32 $1.000000010e-01, v27  }
0x40: {  	v22 =	vmax.f32 @p0 v23, v24;
	v20 =	vmin.f32 @p0 v21, v20;
	v23 =	vmul.f32 $1.000000010e-01, v44  }
0x41: {  	vm1 =	vmand @p0 vm1, vm2;
	vm2 =	vle.f32 @p0 v22, v20;
	v21 =	vadd.f32 $-1.000000000e+00, v45  }
0x42: {  	s0 =	rddreg [dreg:$0x3];
	vm1 =	vmand @p0 vm1, vm2;
	vm2 =	vlt.f32 @p0 v22, $1.000000000e+04;
	v23 =	vadd.f32 $-1.000000000e+00, v23  }
0x43: {  	s0 =	smul.u32 @p0 s0, s20;
	vm1 =	vmand @p0 vm2, vm1;
	v46 =	vadd.f32 $-5.000000070e-02, v21;
	v21 =	vadd.f32 $5.000000070e-02, v21  }
0x44: {  	(xrf1) =	vsort.ascd.msk.f32 @p1 $0xffff, v18, v17;
	v17 =	vnsel @p0 vm1, $0x461C4000, v22;
	v47 =	vadd.f32 $-5.000000070e-02, v23;
	v23 =	vadd.f32 $5.000000070e-02, v23  }
0x45: {  	v19 =	vadd.s32 @p0 s0, v19;
	v48 =	vsub.f32 v46, v12;
	v49 =	vsub.f32 v21, v12  }
0x46: {  	v14 =	vadd.s32 @p0 v14, v19;
	v50 =	vsub.f32 v47, v10;
	v51 =	vsub.f32 v23, v10  }
0x47: {  	(xrf1) =	vsort.ascd.msk.f32 @p0 $0xffff, v17, v14;
	v52 =	vmul.f32 v48, v11;
	v53 =	vmul.f32 v49, v11  }
0x48: {  	s28 =	rddreg [dreg:$0x3];
	v54 =	vmul.f32 v50, v9;
	v55 =	vmul.f32 v51, v9  }
0x49: {  	s30 =	smin.f32 s26, s29;
	s31 =	smax.f32 s26, s29;
	vm10 =	vlt.u32 v26, $0x15;
	vm11 =	vlt.u32 v43, $0x15;
	v7 =	vmul.u32 v7, v26  }
0x4a: {  	s1 =	smax.f32 s30, $0.0e+00;
	s3 =	smin.f32 s31, $1.000000000e+05;
	v56 =	vmin.f32 v52, v53;
	v57 =	vmin.f32 v54, v55;
	v9 =	vmax.f32 v54, v55  }
0x4b: {  	s0 =	smul.u32 s28, s19;
	v11 =	vmax.f32 v52, v53;
	v58 =	vmax.f32 v57, s1;
	v9 =	vmin.f32 v9, s3  }
0x4c: {  	v59 =	vmul.u32 v8, v43;
	v12 =	vmax.f32 v58, v56;
	v9 =	vmin.f32 v9, v11  }
0x4d: {  	vm1 =	vmand vm10, vm11;
	v7 =	vadd.s32 s0, v7;
	vm12 =	vle.f32 v12, v9  }
0x4e: {  	v7 =	vadd.s32 v59, v7;
	vm13 =	vlt.f32 v12, $1.000000000e+04;
	vm1 =	vmand vm1, vm12  }
0x4f: {  	v10 =	vpsel p0, v17, v15;
	v11 =	vpsel p0, v20, v13;
	vm1 =	vmand vm13, vm1  }
0x50: {  	(xrf1) =	vsort.ascd.msk.f32 @p0 $0xffff, v10, v11;
	v60 =	vnsel vm1, $0x461C4000, v12  }
0x51: {  	(xrf1) =	vsort.ascd.msk.f32 $0xffff, v60, v7  }
0x52: {  	v11 =	vmpcnt.ones.xlane @p2 vm0;
	v7, v8, _ =	vpop @p1 (xrf1)  }
0x53: {  	vm0 =	vlt.f32 @p1 v7, $1.000000000e+04  }
0x54: {  	v11 =	vadd.s32 @p2 v16, v11;
	_, v12, _ =	vpop @p1 (xrf1);
	vm1 =	vmmov @p1 vm0  }
0x55: {  	v11 =	vpsel p2, v11, v6;
	v14, v15, _ =	vpop @p0 (xrf1);
	v13 =	vmpcnt.ones.xlane @p1 vm1  }
0x56: {  	vm2 =	vlt.s32 @p1 v11, $0x3F;
	vm1 =	vlt.f32 @p0 v14, $1.000000000e+04  }
0x57: {  	v16 =	vnsel @p1 vm2, $0x3F, v11;
	vm2 =	vmmov @p0 vm1;
	v11 =	vadd.s32 @p1 v11, v13  }
0x58: {  	v13 =	vadd.s32 @p1 v1, v16;
	v16 =	vmpcnt.ones.xlane @p0 vm2;
	v11 =	vpsel p1, v11, v6  }
0x59: {  	(xrf1) =	vsort.ascd.msk.f32 $0xffff, v60, v9;
	v17 =	vand.u32 @p1 $0xFFFFFF80, v13;
	v13 =	vand.u32 @p1 $0x7F, v13;
	vm2 =	vlt.s32 @p0 v11, $0x3F  }
0x5a: {  	v9 =	vadd.s32 @p1 v5, v17;
	v10 =	vnsel @p0 vm2, $0x3F, v11;
	v11 =	vadd.s32 @p0 v11, v16  }
0x5b: {  	v9 =	vor.u32 @p1 v13, v9;
	v10 =	vadd.s32 @p0 v1, v10;
	v6 =	vpsel p0, v11, v6  }
0x5c: {  	v11 =	vand.u32 @p0 $0xFFFFFF80, v10;
	vm14 =	vlt.s32 v6, $0x3F  }
0x5d: {  	v10 =	vand.u32 @p0 $0x7F, v10;
	v11 =	vadd.s32 @p0 v5, v11;
	v6 =	vnsel vm14, $0x3F, v6  }
0x5e: {  	_, v13, _ =	vpop @p0 (xrf1);
	v10 =	vor.u32 @p0 v10, v11;
	v6 =	vadd.s32 v1, v6  }
0x5f: {  	v61 =	vand.u32 $0xFFFFFF80, v6;
	v63, v62, _ =	vpop (xrf1)  }
0x60: {  	[tilespmem:v9+s10+$0x0] =	vst.idx.msk @p1 vm0, v8;
	v6 =	vand.u32 $0x7F, v6;
	v5 =	vadd.s32 v5, v61;
	vm15 =	vlt.f32 v63, $1.000000000e+04  }
0x61: {  	[tilespmem:v9+s11+$0x0] =	vst.idx.msk @p1 vm0, v7;
	v5 =	vor.u32 v6, v5  }
0x62: {  	[tilespmem:v9+s12+$0x0] =	vst.idx.msk @p1 vm0, v12  }
0x63: {  	[tilespmem:v10+s10+$0x0] =	vst.idx.msk @p0 vm1, v15  }
0x64: {  	[tilespmem:v10+s11+$0x0] =	vst.idx.msk @p0 vm1, v14  }
0x65: {  	[tilespmem:v10+s12+$0x0] =	vst.idx.msk @p0 vm1, v13  }
0x66: {  	[tilespmem:v5+s10+$0x0] =	vst.idx.msk vm15, v62  }
0x67: {  	_, v6, _ =	vpop (xrf1);
	[tilespmem:v5+s11+$0x0] =	vst.idx.msk vm15, v63  }
0x68: {  	[tilespmem:v5+s12+$0x0] =	vst.idx.msk vm15, v6  }
.LBB2_14:
0x69: {  	s14 =	sadd.s32 $0x1, s14  }
0x6a: {  	p0 =	sne.s32 s14, $0x40  }
.Ltmp3:
0x6b: {  	_ = 	snop;
	(pc) =	sbr.rel @!p0 .LBB2_15-.Ltmp3, $1  }
0x6c: {  	_ =	sdelay $0x3  }
.LBB2_2:
0x6d: {  	s0 =	sshll.u32 s14, $0x7  }
0x6e: {  	[tilespmem:s0+$0x400] =	vst v0  }
0x6f: {  	[tilespmem:s0+$0x2800] =	vst v2  }
0x70: {  	[tilespmem:s0+$0x4C00] =	vst v2  }
0x71: {  	[tilespmem:s0+$0x410] =	vst v0  }
0x72: {  	[tilespmem:s0+$0x2810] =	vst v2  }
0x73: {  	[tilespmem:s0+$0x4C10] =	vst v2  }
0x74: {  	[tilespmem:s0+$0x420] =	vst v0  }
0x75: {  	[tilespmem:s0+$0x2820] =	vst v2  }
0x76: {  	[tilespmem:s0+$0x4C20] =	vst v2  }
0x77: {  	[tilespmem:s0+$0x42F] =	vst v0  }
0x78: {  	s1 =	sshll.u32 s14, $0x4;
	[tilespmem:s0+$0x282F] =	vst v2  }
0x79: {  	s1 =	sand.u32 $0x3FFFFFF0, s1;
	[tilespmem:s0+$0x4C2F] =	vst v2  }
0x7a: {  	v5 =	vld [tilespmem:s1+$0x0];
	_ =	sdelay $0x4  }
0x7b: {  	(v2sf) =	vpush v5, $0x0  }
0x7c: {  	(v2sf) =	vpush v5, $0x1  }
0x7d: {  	(v2sf) =	vpush v5, $0x2  }
0x7e: {  	(v2sf) =	vpush v5, $0x3  }
0x7f: {  	(v2sf) =	vpush v5, $0x4  }
0x80: {  	(v2sf) =	vpush v5, $0x5  }
0x81: {  	(v2sf) =	vpush v5, $0x6;
	_ =	sdelay $0x1  }
0x82: {  	(v2sf) =	vpush v5, $0x7;
	_ =	sdelay $0x2  }
0x83: {  	(v2sf) =	vpush v5, $0x8;
	_ =	sdelay $0x3  }
0x84: {  	s24 =	spop (v2sf)  }
0x85: {  	s15 =	spop (v2sf);
	s3 =	ssub.f32 $-1.049999950e+00, s24  }
0x86: {  	s21 =	ssub.f32 $1.049999950e+00, s24;
	s16 =	spop (v2sf)  }
0x87: {  	s4 =	ssub.f32 $-1.049999950e+00, s15;
	s22 =	spop (v2sf)  }
0x88: {  	s29 =	ssub.f32 $1.049999950e+00, s15;
	s17 =	spop (v2sf)  }
0x89: {  	s31 =	sand.u32 $0x7FFFFFFF, s22;
	s18 =	spop (v2sf);
	s19 =	sand.u32 $0x7FFFFFFF, s17  }
0x8a: {  	s20 =	sand.u32 $0x7FFFFFFF, s18;
	p0 =	sge.f32 s31, s19;
	s28 =	spop (v2sf)  }
0x8b: {  	p1 =	sge.f32 s31, s20;
	p2 =	sge.f32 s19, s20  }
0x8c: {  	s26 =	spop (v2sf);
	s23 =	smul.f32 s3, s28  }
0x8d: {  	s1 =	smov.u32 s16;
	s21 =	smul.f32 s21, s28;
	s31 =	ssub.f32 $-1.049999950e+00, s16  }
0x8e: {  	s20 =	smov.u32 s18;
	s3 =	ssub.f32 $1.049999950e+00, s16;
	s30 =	smul.f32 s4, s26  }
0x8f: {  	s19 =	smov.u32 s22;
	s25 =	spop (v2sf);
	s29 =	smul.f32 s29, s26  }
0x90: {  	p0 =	por !p0, !p0;
	s5 =	smul.f32 s31, s25;
	s6 =	smin.f32 s23, s21  }
0x91: {  	p1 =	por !p1, !p1;
	s3 =	smul.f32 s3, s25;
	s21 =	smax.f32 s23, s21  }
0x92: {  	p0 =	por p0, p1;
	s7 =	smin.f32 s30, s29;
	s29 =	smax.f32 s30, s29  }
0x93: {  	p1 =	por !p2, !p0;
	s8 =	smin.f32 s5, s3;
	s3 =	smax.f32 s5, s3  }
0x94: {  	s23 =	smax.f32 s6, s7;
	s31 =	smin.f32 s21, s29;
	p1 =	por !p1, !p1  }
0x95: {  	s23 =	smax.f32 s23, s8;
	s3 =	smin.f32 s31, s3;
	s20 =	smov.u32 @p1 s17  }
0x96: {  	s1 =	smov.u32 @p1 s15;
	s4 =	smax.f32 s23, $0.0e+00;
	s19 =	smov.u32 @p0 s20  }
0x97: {  	s29 =	smin.f32 s3, $1.000000000e+04;
	s20 =	smov.u32 s24;
	s21 =	smul.f32 s19, s4  }
0x98: {  	s20 =	smov.u32 @p0 s1;
	s5 =	smul.f32 s19, s29  }
0x99: {  	s21 =	sadd.f32 s21, s20  }
0x9a: {  	s1 =	sadd.f32 s5, s20;
	_ =	sdelay $0x1  }
0x9b: {  	s29 =	smin.f32 s21, s1  }
0x9c: {  	s1 =	smax.f32 s21, s1;
	s29 =	smax.f32 s29, $-1.000000000e+02  }
0x9d: {  	s1 =	smax.f32 s1, $-1.000000000e+02;
	s6 =	smin.f32 s29, $1.000000000e+02  }
0x9e: {  	s1 =	smin.f32 s1, $1.000000000e+02;
	s21 =	sadd.f32 $1.049999950e+00, s6  }
0x9f: {  	s1 =	sadd.f32 $1.049999950e+00, s1  }
0xa0: {  	s21 =	smul.f32 $1.000000000e+01, s21  }
0xa1: {  	s1 =	smul.f32 $1.000000000e+01, s1;
	_ =	sdelay $0x1  }
0xa2: {  	s29 =	scvt.f32.s32 s21;
	s7 =	scvt.f32.s32 s1  }
0xa3: {  	_ = 	snop  }
0xa4: {  	s8 =	scvt.s32.f32 s29;
	s4 =	scvt.s32.f32 s7  }
0xa5: {  	_ = 	snop  }
0xa6: {  	p2 =	slt.f32 s21, s8;
	p3 =	slt.f32 s1, s4  }
0xa7: {  	s1 =	simm.s32 $0x1;
	s4 =	simm.s32 $0x1  }
0xa8: {  	s1 =	simm.s32 @!p2 $0x0;
	s4 =	simm.s32 @!p3 $0x0  }
0xa9: {  	p2 =	sgt.f32 s23, s3;
	s1 =	sxor.u32 $0xFFFFFFFF, s1;
	s4 =	ssub.s32 s7, s4  }
0xaa: {  	s21 =	sadd.s32 s29, s1;
	s1 =	sadd.s32 $0x1, s4  }
0xab: {  	p5 =	slt.f32 @!p2 s3, $0.0e+00;
	p3 =	sgt.s32 s21, $0x0;
	p4 =	slt.s32 s1, $0x14  }
0xac: {  	s21 =	simm.s32 @!p3 $0x0;
	s1 =	simm.s32 @!p4 $0x14  }
0xad: {  	p2 =	por p2, p5;
	s29 =	ssub.s32 s1, s21  }
0xae: {  	p3 =	sgt.u32 @!p2 s29, $0x7FFFFFFE  }
0xaf: {  	p2 =	por p2, p3  }
.Ltmp4:
0xb0: {  	_ = 	snop;
	(pc) =	sbr.rel @p2 .LBB2_14-.Ltmp4, $1  }
0xb1: {  	_ =	sdelay $0x3  }
0xb2: {  	p3 =	sge.f32 s19, $0.0e+00  }
0xb3: {  	s23 =	sadd.s32 $0x0, s21;
	s19 =	smov.u32 s1  }
0xb4: {  	s19 =	smov.u32 @p3 s23  }
0xb5: {  	s30 =	scvt.s32.f32 s19  }
0xb6: {  	s3 =	smov.u32 s25;
	s4 =	simm.s32 $0x15;
	p2 =	por !p1, !p1  }
0xb7: {  	s6 =	sadd.s32 $0x1, s29;
	s3 =	smov.u32 @p1 s26;
	s7 =	smul.f32 $1.000000010e-01, s30  }
0xb8: {  	s4 =	simm.s32 @!p1 $0x1;
	p2 =	por @!p0 p1, p1;
	[dreg:$0x4] =	wrdreg s6  }
0xb9: {  	p1 =	por $0x0, $0x0;
	s23 =	smov.u32 s28;
	s8 =	sadd.f32 $-1.000000000e+00, s7  }
0xba: {  	s16 =	smov.u32 @p2 s15;
	s15 =	smov.u32 @p0 s24;
	s29 =	rddreg [dreg:$0x4]  }
0xbb: {  	s18 =	smov.u32 @p2 s17;
	s17 =	smov.u32 @p0 s22;
	s30 =	sadd.f32 $-5.000000070e-02, s8  }
0xbc: {  	s23 =	smov.u32 @p0 s3;
	p4 =	sgt.s32 s29, $0x1;
	s3 =	sadd.f32 $5.000000070e-02, s8  }
.Ltmp5:
0xbd: {  	s25 =	smov.u32 @p2 s26;
	s31 =	ssub.f32 s30, s20;
	(pc) =	sbr.rel @!p4 .LBB2_4-.Ltmp5, $4  }
0xbe: {  	s24 =	simm.s32 $0x1B9;
	s26 =	smov.u32 @p0 s28;
	s3 =	ssub.f32 s3, s20  }
0xbf: {  	v5 =	vmov s0;
	v6 =	vimm.s32 $0x0;
	s28 =	simm.s32 $0x15;
	s24 =	simm.s32 @!p0 $0x15;
	s22 =	smul.f32 s31, s23  }
0xc0: {  	s4 =	simm.s32 @!p0 $0x1B9;
	v10 =	vmov s15;
	v9 =	vmov s26;
	s28 =	simm.s32 @!p2 $0x1;
	v7 =	vmov s24;
	s24 =	smul.f32 s3, s23  }
0xc1: {  	[dreg:$0x3] =	wrdreg s4;
	v12 =	vmov s16;
	v11 =	vmov s25;
	p0 =	por $0x0, $0x0;
	p2 =	por $0x0, $0x0;
	v8 =	vmov s28  }
0xc2: {  	s0 =	smul.f32 s22, s18  }
0xc3: {  	s3 =	smul.f32 s24, s18  }
0xc4: {  	s4 =	smul.f32 s22, s17;
	s0 =	sadd.f32 s0, s16  }
0xc5: {  	s25 =	smul.f32 s24, s17;
	s3 =	sadd.f32 s3, s16  }
0xc6: {  	s4 =	sadd.f32 s4, s15  }
0xc7: {  	s25 =	sadd.f32 s25, s15  }
0xc8: {  	s0 =	smin.f32 s0, s3  }
0xc9: {  	s29 =	smin.f32 s4, s25;
	s25 =	sadd.s32 $0xFFFFFFFF, s1;
	s0 =	smax.f32 s0, $-1.000000000e+01  }
0xca: {  	s3 =	sadd.s32 $0x1, s21;
	s4 =	smax.f32 s29, $-1.000000000e+01;
	s0 =	smin.f32 s0, $1.000000000e+01  }
0xcb: {  	s30 =	smov.u32 s25;
	s1 =	smin.f32 s4, $1.000000000e+01;
	s0 =	sadd.f32 $1.049999950e+00, s0  }
0xcc: {  	s30 =	smov.u32 @p3 s3;
	s1 =	sadd.f32 $1.049999950e+00, s1  }
0xcd: {  	s3 =	scvt.s32.f32 s30;
	s0 =	smul.f32 $1.000000000e+01, s0  }
0xce: {  	s1 =	smul.f32 $1.000000000e+01, s1  }
0xcf: {  	s3 =	smul.f32 $1.000000010e-01, s3  }
0xd0: {  	s5 =	scvt.f32.s32 s0  }
0xd1: {  	s28 =	scvt.f32.s32 s1;
	s3 =	sadd.f32 $-1.000000000e+00, s3  }
0xd2: {  	s26 =	rddreg [dreg:$0x4];
	s29 =	scvt.s32.f32 s5  }
0xd3: {  	s31 =	scvt.s32.f32 s28;
	s6 =	sadd.f32 $-5.000000070e-02, s3  }
0xd4: {  	p4 =	sgt.s32 s26, $0x2;
	s7 =	sadd.f32 $5.000000070e-02, s3;
	p0 =	slt.f32 s0, s29  }
.Ltmp6:
0xd5: {  	p5 =	slt.f32 s1, s31;
	s1 =	simm.s32 $0x1;
	(pc) =	sbr.rel @!p4 .LBB2_6-.Ltmp6, $4  }
0xd6: {  	s26 =	simm.s32 $0x1;
	s8 =	ssub.f32 s6, s20;
	s1 =	simm.s32 @!p0 $0x0  }
0xd7: {  	s0 =	ssub.f32 s7, s20;
	s26 =	simm.s32 @!p5 $0x0;
	s1 =	sxor.u32 $0xFFFFFFFF, s1  }
0xd8: {  	s31 =	smul.f32 s8, s23;
	s29 =	sxor.u32 $0xFFFFFFFF, s26;
	s4 =	sadd.s32 s5, s1  }
0xd9: {  	s0 =	smul.f32 s0, s23;
	p0 =	por $0x1, $0x1;
	s1 =	sadd.s32 s28, s29;
	v14 =	vadd.s32 s4, v4  }
0xda: {  	s3 =	rddreg [dreg:$0x4];
	s4 =	smul.f32 s31, s18  }
0xdb: {  	v15 =	vadd.s32 s1, v3;
	v13 =	vcvt.s32.f32 v14;
	s28 =	rddreg [dreg:$0x3];
	s29 =	smul.f32 s31, s17  }
0xdc: {  	s6 =	smul.f32 s0, s18;
	v16 =	vcvt.s32.f32 v15;
	s4 =	sadd.f32 s4, s16  }
0xdd: {  	s26 =	sadd.s32 $0xFFFFFFFF, s25;
	s5 =	smul.f32 s0, s17;
	v13 =	vmul.f32 $1.000000010e-01, v13;
	s29 =	sadd.f32 s29, s15  }
0xde: {  	s25 =	smov.u32 s26;
	s1 =	sadd.f32 s6, s16;
	v16 =	vmul.f32 $1.000000010e-01, v16;
	s6 =	sadd.s32 $0x2, s21  }
0xdf: {  	s19 =	smul.u32 s28, s19;
	s5 =	sadd.f32 s5, s15;
	v13 =	vadd.f32 $-1.000000000e+00, v13;
	s25 =	smov.u32 @p3 s6  }
0xe0: {  	v16 =	vadd.f32 $-1.000000000e+00, v16;
	s6 =	scvt.s32.f32 s25;
	s1 =	smin.f32 s4, s1  }
0xe1: {  	s7 =	smin.f32 s29, s5;
	v17 =	vadd.f32 $-5.000000070e-02, v13;
	s1 =	smax.f32 s1, $-1.000000000e+01  }
0xe2: {  	s4 =	smax.f32 s7, $-1.000000000e+01;
	v13 =	vadd.f32 $5.000000070e-02, v13;
	v18 =	vadd.f32 $-5.000000070e-02, v16;
	s1 =	smin.f32 s1, $1.000000000e+01  }
0xe3: {  	v16 =	vadd.f32 $5.000000070e-02, v16;
	s4 =	smin.f32 s4, $1.000000000e+01;
	s1 =	sadd.f32 $1.049999950e+00, s1  }
0xe4: {  	s8 =	smul.f32 $1.000000010e-01, s6;
	s4 =	sadd.f32 $1.049999950e+00, s4;
	v17 =	vsub.f32 v17, v12;
	v13 =	vsub.f32 v13, v12  }
0xe5: {  	s29 =	smin.f32 s22, s24;
	v18 =	vsub.f32 v18, v10;
	v16 =	vsub.f32 v16, v10;
	s1 =	smul.f32 $1.000000000e+01, s1  }
0xe6: {  	s7 =	smax.f32 s22, s24;
	s4 =	smul.f32 $1.000000000e+01, s4;
	v17 =	vmul.f32 v17, v11;
	v13 =	vmul.f32 v13, v11  }
0xe7: {  	s6 =	smax.f32 s29, $0.0e+00;
	v18 =	vmul.f32 v18, v9;
	v16 =	vmul.f32 v16, v9;
	s24 =	scvt.f32.s32 s1  }
0xe8: {  	vm1 =	vlt.u32 v14, $0x15;
	s5 =	sadd.f32 $-1.000000000e+00, s8;
	s29 =	scvt.f32.s32 s4  }
0xe9: {  	s22 =	smin.f32 s7, $1.000000000e+05;
	v63 =	vmin.f32 v17, v13;
	v19 =	vmin.f32 v18, v16;
	v16 =	vmax.f32 v18, v16;
	s8 =	scvt.s32.f32 s24  }
0xea: {  	s7 =	sadd.f32 $-5.000000070e-02, s5;
	v13 =	vmax.f32 v17, v13;
	v62 =	vmax.f32 v19, s6;
	v16 =	vmin.f32 v16, s22;
	s22 =	scvt.s32.f32 s29  }
0xeb: {  	vm0 =	vlt.u32 v15, $0x15;
	p4 =	sgt.s32 s3, $0x3;
	v17 =	vmax.f32 v62, v63;
	v13 =	vmin.f32 v16, v13;
	p1 =	slt.f32 s1, s8;
	s8 =	sadd.f32 $5.000000070e-02, s5  }
.Ltmp7:
0xec: {  	v15 =	vmul.u32 v7, v15;
	vm0 =	vmand vm0, vm1;
	vm14 =	vle.f32 v17, v13;
	p5 =	slt.f32 s4, s22;
	s4 =	simm.s32 $0x1;
	(pc) =	sbr.rel @!p4 .LBB2_8-.Ltmp7, $4  }
0xed: {  	v14 =	vmul.u32 v8, v14;
	s3 =	ssub.f32 s7, s20;
	vm15 =	vlt.f32 v17, $1.000000000e+04;
	s5 =	simm.s32 $0x1;
	vm0 =	vmand vm0, vm14;
	s4 =	simm.s32 @!p1 $0x0  }
0xee: {  	v16 =	vadd.s32 s19, v15;
	vm0 =	vmand vm15, vm0;
	s1 =	ssub.f32 s8, s20;
	s5 =	simm.s32 @!p5 $0x0;
	s4 =	sxor.u32 $0xFFFFFFFF, s4  }
0xef: {  	v14 =	vadd.s32 v14, v16;
	s22 =	smul.f32 s3, s23;
	v15 =	vnsel vm0, $0x461C4000, v17;
	s28 =	sxor.u32 $0xFFFFFFFF, s5;
	s4 =	sadd.s32 s24, s4  }
0xf0: {  	p1 =	por $0x1, $0x1;
	(xrf1) =	vsort.ascd.msk.f32 $0xffff, v15, v14;
	s24 =	smul.f32 s1, s23;
	s1 =	sadd.s32 s29, s28;
	v14 =	vadd.s32 s4, v4  }
0xf1: {  	s29 =	rddreg [dreg:$0x4];
	s3 =	smul.f32 s22, s18  }
0xf2: {  	v16 =	vadd.s32 s1, v3;
	v17 =	vcvt.s32.f32 v14;
	s1 =	rddreg [dreg:$0x3];
	s5 =	smul.f32 s22, s17  }
0xf3: {  	s4 =	smul.f32 s24, s18;
	v18 =	vcvt.s32.f32 v16;
	s3 =	sadd.f32 s3, s16  }
0xf4: {  	s28 =	sadd.s32 $0xFFFFFFFF, s26;
	s6 =	smul.f32 s24, s17;
	v17 =	vmul.f32 $1.000000010e-01, v17;
	s5 =	sadd.f32 s5, s15  }
0xf5: {  	s26 =	sadd.s32 $0x3, s21;
	s19 =	smov.u32 s28;
	s4 =	sadd.f32 s4, s16;
	v18 =	vmul.f32 $1.000000010e-01, v18  }
0xf6: {  	s1 =	smul.u32 s1, s30;
	s19 =	smov.u32 @p3 s26;
	s6 =	sadd.f32 s6, s15;
	v17 =	vadd.f32 $-1.000000000e+00, v17  }
0xf7: {  	vm0 =	vlt.s32 v6, $0x3F;
	s26 =	scvt.s32.f32 s19;
	v18 =	vadd.f32 $-1.000000000e+00, v18;
	s3 =	smin.f32 s3, s4  }
0xf8: {  	(xrf1) =	vsort.ascd.msk.f32 $0xffff, v15, v13;
	v21 =	vnsel vm0, $0x3F, v6;
	s7 =	smin.f32 s5, s6;
	v19 =	vadd.f32 $-5.000000070e-02, v17;
	s3 =	smax.f32 s3, $-1.000000000e+01  }
0xf9: {  	v17 =	vadd.f32 $5.000000070e-02, v17;
	s4 =	smax.f32 s7, $-1.000000000e+01;
	v20 =	vadd.f32 $-5.000000070e-02, v18;
	s3 =	smin.f32 s3, $1.000000000e+01  }
0xfa: {  	vm2 =	vlt.u32 v14, $0x15;
	vm1 =	vlt.u32 v16, $0x15;
	v18 =	vadd.f32 $5.000000070e-02, v18;
	s4 =	smin.f32 s4, $1.000000000e+01;
	s3 =	sadd.f32 $1.049999950e+00, s3  }
0xfb: {  	v16 =	vmul.u32 v7, v16;
	s5 =	smul.f32 $1.000000010e-01, s26;
	v19 =	vsub.f32 v19, v12;
	v17 =	vsub.f32 v17, v12;
	s4 =	sadd.f32 $1.049999950e+00, s4  }
0xfc: {  	s8 =	smin.f32 s31, s0;
	v21 =	vadd.s32 v1, v21;
	v20 =	vsub.f32 v20, v10;
	v18 =	vsub.f32 v18, v10;
	s3 =	smul.f32 $1.000000000e+01, s3  }
0xfd: {  	v24 =	vand.u32 $0xFFFFFF80, v21;
	s26 =	smax.f32 s31, s0;
	v19 =	vmul.f32 v19, v11;
	v17 =	vmul.f32 v17, v11;
	s4 =	smul.f32 $1.000000000e+01, s4  }
0xfe: {  	v21 =	vand.u32 $0x7F, v21;
	s6 =	smax.f32 s8, $0.0e+00;
	v20 =	vmul.f32 v20, v9;
	v18 =	vmul.f32 v18, v9;
	s7 =	scvt.f32.s32 s3;
	v22, v23, _ =	vpop (xrf1)  }
0xff: {  	v24 =	vadd.s32 v5, v24;
	s5 =	sadd.f32 $-1.000000000e+00, s5;
	s8 =	scvt.f32.s32 s4;
	v63 =	vmin.f32 v19, v17;
	vm0 =	vlt.f32 v22, $1.000000000e+04  }
0x100: {  	s0 =	smin.f32 s26, $1.000000000e+05;
	v25 =	vmin.f32 v20, v18;
	v18 =	vmax.f32 v20, v18;
	v20 =	vor.u32 v21, v24;
	s26 =	scvt.s32.f32 s7  }
0x101: {  	p4 =	sgt.s32 s29, $0x4;
	s30 =	sadd.f32 $-5.000000070e-02, s5;
	v17 =	vmax.f32 v19, v17;
	v62 =	vmax.f32 v25, s6;
	v18 =	vmin.f32 v18, s0;
	s6 =	scvt.s32.f32 s8  }
0x102: {  	v16 =	vadd.s32 s1, v16;
	s31 =	simm.s32 $0x4;
	v19 =	vmax.f32 v62, v63;
	v17 =	vmin.f32 v18, v17;
	p2 =	slt.f32 s3, s26;
	s26 =	sadd.f32 $5.000000070e-02, s5  }
.Ltmp8:
0x103: {  	vm1 =	vmand vm1, vm2;
	s0 =	simm.s32 $0x1;
	vm2 =	vle.f32 v19, v17;
	p5 =	slt.f32 s4, s6;
	(pc) =	sbr.rel @!p4 .LBB2_10-.Ltmp8, $4  }
0x104: {  	v14 =	vmul.u32 v8, v14;
	s30 =	ssub.f32 s30, s20;
	s5 =	simm.s32 $0x1;
	vm1 =	vmand vm1, vm2;
	vm2 =	vlt.f32 v19, $1.000000000e+04;
	s0 =	simm.s32 @!p2 $0x0  }
0x105: {  	vm1 =	vmand vm2, vm1;
	s6 =	ssub.f32 s26, s20;
	s5 =	simm.s32 @!p5 $0x0;
	s0 =	sxor.u32 $0xFFFFFFFF, s0;
	[tilespmem:v20+s10+$0x0] =	vst.idx.msk vm0, v23  }
0x106: {  	v14 =	vadd.s32 v14, v16;
	_, v16, _ =	vpop (xrf1);
	s26 =	smul.f32 s30, s23;
	v18 =	vnsel vm1, $0x461C4000, v19;
	s30 =	sxor.u32 $0xFFFFFFFF, s5;
	s0 =	sadd.s32 s7, s0;
	[tilespmem:v20+s11+$0x0] =	vst.idx.msk vm0, v22  }
0x107: {  	p2 =	por $0x1, $0x1;
	(xrf1) =	vsort.ascd.msk.f32 $0xffff, v18, v14;
	s29 =	smul.f32 s6, s23;
	s1 =	sadd.s32 s8, s30;
	v14 =	vadd.s32 s0, v4;
	[tilespmem:v20+s12+$0x0] =	vst.idx.msk vm0, v16;
	v16 =	vimm.s32 $0x0  }
.LBB2_11:
0x108: {  	s3 =	rddreg [dreg:$0x4];
	s4 =	smul.f32 s26, s18  }
0x109: {  	v19 =	vadd.s32 s1, v3;
	v20 =	vcvt.s32.f32 v14;
	s0 =	rddreg [dreg:$0x3];
	s30 =	smul.f32 s29, s18  }
0x10a: {  	v21 =	vcvt.s32.f32 v19;
	s5 =	smul.f32 s26, s17;
	s4 =	sadd.f32 s4, s16  }
0x10b: {  	s28 =	sadd.s32 $0xFFFFFFFF, s28;
	s6 =	smul.f32 s29, s17;
	v20 =	vmul.f32 $1.000000010e-01, v20;
	s1 =	sadd.f32 s30, s16  }
0x10c: {  	s7 =	sadd.s32 s31, s21;
	v21 =	vmul.f32 $1.000000010e-01, v21;
	s5 =	sadd.f32 s5, s15;
	s30 =	smov.u32 s28  }
0x10d: {  	s0 =	smul.u32 s0, s25;
	s6 =	sadd.f32 s6, s15;
	v20 =	vadd.f32 $-1.000000000e+00, v20;
	s30 =	smov.u32 @p3 s7  }
0x10e: {  	v21 =	vadd.f32 $-1.000000000e+00, v21;
	s7 =	scvt.s32.f32 s30;
	s1 =	smin.f32 s4, s1  }
0x10f: {  	s31 =	sadd.s32 $0x1, s31;
	(xrf1) =	vsort.ascd.msk.f32 $0xffff, v18, v17;
	v17 =	vmpcnt.ones.xlane vm0;
	vm2 =	vlt.u32 v14, $0x15;
	s6 =	smin.f32 s5, s6;
	v22 =	vadd.f32 $-5.000000070e-02, v20;
	s1 =	smax.f32 s1, $-1.000000000e+01  }
0x110: {  	p4 =	sgt.s32 s3, s31;
	v20 =	vadd.f32 $5.000000070e-02, v20;
	s3 =	smax.f32 s6, $-1.000000000e+01;
	v18 =	vadd.f32 $-5.000000070e-02, v21;
	s1 =	smin.f32 s1, $1.000000000e+01  }
0x111: {  	v16 =	vadd.s32 v16, v17;
	v21 =	vadd.f32 $5.000000070e-02, v21;
	s3 =	smin.f32 s3, $1.000000000e+01;
	v22 =	vsub.f32 v22, v12;
	s1 =	sadd.f32 $1.049999950e+00, s1  }
0x112: {  	vm0 =	vlt.s32 v16, $0x3F;
	s4 =	smul.f32 $1.000000010e-01, s7;
	v20 =	vsub.f32 v20, v12;
	s3 =	sadd.f32 $1.049999950e+00, s3;
	v17 =	vsub.f32 v18, v10  }
0x113: {  	s8 =	smin.f32 s22, s24;
	v62 =	vnsel vm0, $0x3F, v16;
	v18 =	vsub.f32 v21, v10;
	v61 =	vmul.f32 v22, v11;
	s1 =	smul.f32 $1.000000000e+01, s1  }
0x114: {  	s5 =	smax.f32 s8, $0.0e+00;
	v20 =	vmul.f32 v20, v11;
	v22 =	vadd.s32 v1, v62;
	s3 =	smul.f32 $1.000000000e+01, s3;
	v17 =	vmul.f32 v17, v9  }
0x115: {  	s6 =	smax.f32 s22, s24;
	v18 =	vmul.f32 v18, v9;
	v24 =	vand.u32 $0xFFFFFF80, v22;
	v22 =	vand.u32 $0x7F, v22;
	s7 =	scvt.f32.s32 s1;
	v25, v26, _ =	vpop (xrf1)  }
0x116: {  	s25 =	smov.u32 s19;
	s4 =	sadd.f32 $-1.000000000e+00, s4;
	v23 =	vmin.f32 v61, v20;
	v24 =	vadd.s32 v5, v24;
	s8 =	scvt.f32.s32 s3;
	vm0 =	vlt.f32 v25, $1.000000000e+04  }
0x117: {  	s22 =	smov.u32 s26;
	s6 =	smin.f32 s6, $1.000000000e+05;
	v27 =	vmin.f32 v17, v18;
	v17 =	vmax.f32 v17, v18;
	v22 =	vor.u32 v22, v24;
	s26 =	scvt.s32.f32 s7  }
0x118: {  	s19 =	smov.u32 s30;
	s30 =	sadd.f32 $5.000000070e-02, s4;
	v20 =	vmax.f32 v61, v20;
	v18 =	vmax.f32 v27, s5;
	v17 =	vmin.f32 v17, s6;
	s5 =	scvt.s32.f32 s8  }
0x119: {  	vm1 =	vlt.u32 v19, $0x15;
	s6 =	sadd.f32 $-5.000000070e-02, s4;
	v18 =	vmax.f32 v18, v23;
	v17 =	vmin.f32 v17, v20;
	p5 =	slt.f32 s1, s26  }
.Ltmp9:
0x11a: {  	v63 =	vmul.u32 v7, v19;
	vm1 =	vmand vm1, vm2;
	s4 =	simm.s32 $0x1;
	vm2 =	vle.f32 v18, v17;
	p6 =	slt.f32 s3, s5;
	(pc) =	sbr.rel @p4 .LBB2_11-.Ltmp9, $4  }
0x11b: {  	v14 =	vmul.u32 v8, v14;
	s5 =	ssub.f32 s6, s20;
	s1 =	simm.s32 $0x1;
	vm1 =	vmand vm1, vm2;
	vm2 =	vlt.f32 v18, $1.000000000e+04;
	s4 =	simm.s32 @!p5 $0x0  }
0x11c: {  	v20 =	vadd.s32 s0, v63;
	s6 =	ssub.f32 s30, s20;
	vm1 =	vmand vm2, vm1;
	s1 =	simm.s32 @!p6 $0x0;
	s4 =	sxor.u32 $0xFFFFFFFF, s4;
	[tilespmem:v22+s10+$0x0] =	vst.idx.msk vm0, v26  }
0x11d: {  	_, v19, _ =	vpop (xrf1);
	v14 =	vadd.s32 v14, v20;
	s26 =	smul.f32 s5, s23;
	v18 =	vnsel vm1, $0x461C4000, v18;
	s1 =	sxor.u32 $0xFFFFFFFF, s1;
	s30 =	sadd.s32 s7, s4;
	[tilespmem:v22+s11+$0x0] =	vst.idx.msk vm0, v25  }
0x11e: {  	s24 =	smov.u32 s29;
	s29 =	smul.f32 s6, s23;
	(xrf1) =	vsort.ascd.msk.f32 $0xffff, v18, v14;
	s1 =	sadd.s32 s8, s1;
	v14 =	vadd.s32 s30, v4;
	[tilespmem:v22+s12+$0x0] =	vst.idx.msk vm0, v19  }
.Ltmp10:
0x11f: {  	(pc) =	sbr.rel .LBB2_13-.Ltmp10, $2  }
0x120: {  	_ =	sdelay $0x2  }
0x121: {  	s20 =	smov.u32 s25  }
.LBB2_6:
.Ltmp11:
0x122: {  	(pc) =	sbr.rel .LBB2_13-.Ltmp11, $3  }
0x123: {  	_ =	sdelay $0x1  }
0x124: {  	s20 =	smov.u32 s19  }
0x125: {  	s26 =	smov.u32 s31;
	v16 =	vimm.s32 $0x0;
	s19 =	smov.u32 s30;
	s29 =	smov.u32 s0  }
.LBB2_8:
.Ltmp12:
0x126: {  	(pc) =	sbr.rel .LBB2_13-.Ltmp12, $3  }
0x127: {  	_ =	sdelay $0x1  }
0x128: {  	s26 =	smov.u32 s22;
	s22 =	smov.u32 s31;
	s20 =	smov.u32 s30  }
0x129: {  	v18 =	vmov v15;
	v17 =	vmov v13;
	v16 =	vimm.s32 $0x0;
	s19 =	smov.u32 s25;
	s29 =	smov.u32 s24;
	s24 =	smov.u32 s0  }
.LBB2_10:
.Ltmp13:
0x12a: {  	(pc) =	sbr.rel .LBB2_13-.Ltmp13, $2  }
0x12b: {  	_ =	sdelay $0x2  }
0x12c: {  	v16 =	vimm.s32 $0x0;
	s20 =	smov.u32 s25  }
.LBB2_16:
0x12d: {  	_ =	sfence.sel $0x180000  }
0x12e: {  	[bflag:$0x0] =	sbarrier.arrive $0xFFFF  }
0x12f: {  	_ =	strace $0x90000047  }
0x130: {  	s0 =	stileid.u32;
	[bflag:$0x2] =	sbarrier.arrive $0xFFFF  }
0x131: {  	p0 =	sne.s32 s0, $0x0;
	s0 =	rddreg [dreg:$0x2]  }
0x132: {  	s0 =	sadd.s32 @!p0 $0x100000, s0  }
0x133: {  	[sflag:s0] =	ssyncadd.tile.s32 @!p0 $0x1;
	_ =	shalt  }
.Lfunc_end2:
_tile_overlayer_lowered:
.L_overlay_start_2:
0x134: {  	(tag) =	ssettag $0x2  }
0x135: {  	s0 =	rddreg [dreg:$0x0];
	s2 =	stileid.u32  }
0x136: {  	s1 =	rddreg [dreg:$0x1];
	p0 =	sne.s32 s2, $0x0  }
0x137: {  	s3 =	rddreg [dreg:$0x2];
	[bflag:$0x3] =	sbarrier.arrive $0xFFFF;
	s2 =	simm.s32 @!p0 $0x1C02  }
0x138: {  	[timem:s3], [sflag:s2] =	dma.local @!p0 [hbm:s0], s1  }
0x139: {  	s0 =	simm.s32 @!p0 $0x2  }
0x13a: {  	_ =	swait.ge @!p0 [sflag:s0], s1  }
0x13b: {  	s1 =	ssub.s32 @!p0 $0x0, s1;
	[sflag:s0] =	ssyncset.done @!p0 $0x0  }
0x13c: {  	[sflag:s0] =	ssyncadd.s32 @!p0 s1  }
0x13d: {  	[bflag:$0x3] =	sbarrier.arrive $0xFFFF  }
0x13e: {  	_ =	shalt  }

</sc_bundles>
